<compile_context>
chip_gen: v7x
topology: tpu7x:2x2x1
jax: 0.10.2.dev20260603
libtpu: 0.0.44.dev20260713+nightly
codegen_flags: <defaults>
</compile_context>

<pallas_src>
import jax
import jax.numpy as jnp
from jax import lax
from jax.experimental import pallas as pl
from jax.experimental.pallas import tpu as pltpu
from jax.experimental.pallas import tpu_sc as plsc

EMBED = 768
INTER = 1024
NEXP = 64
NTOK = 128

_NC = 1
_NS = 16
_L = 16
_NW = _NC * _NS
_TPW = NTOK // _NW
_CH = NEXP // _L


def _gate_body(x_ref, wg_ref, g_ref, xb_ref):
    x = x_ref[...].reshape(NTOK, EMBED)
    g_ref[...] = jnp.dot(x, wg_ref[...], preferred_element_type=jnp.float32)
    xb_ref[...] = x.astype(jnp.bfloat16)


def _route_body(g_hbm, ew_hbm, g_v, ew_v, bf1, bf2, bi1, bi2, sem):
    wid = lax.axis_index("s") * _NC + lax.axis_index("c")
    base = wid * _TPW
    pltpu.sync_copy(g_hbm.at[pl.ds(base, _TPW), :], g_v)
    iota = lax.iota(jnp.int32, _L)

    def _rot(x, s, buf):
        buf[pl.ds(0, _L)] = x
        buf[pl.ds(_L, _L)] = x
        return buf[pl.ds(s, _L)]

    def _token(k, _):
        v1 = g_v[k, pl.ds(0, _L)]
        i1 = iota
        v2 = jnp.full((_L,), -jnp.inf, jnp.float32)
        i2 = jnp.full((_L,), NEXP, jnp.int32)
        for c in range(1, _CH):
            g = g_v[k, pl.ds(c * _L, _L)]
            gi = iota + c * _L
            is1 = g > v1
            gt2 = g > v2
            v2 = jnp.where(is1, v1, jnp.where(gt2, g, v2))
            i2 = jnp.where(is1, i1, jnp.where(gt2, gi, i2))
            v1 = jnp.where(is1, g, v1)
            i1 = jnp.where(is1, gi, i1)
        for s in (8, 4, 2, 1):
            rv1 = _rot(v1, s, bf1)
            ri1 = _rot(i1, s, bi1)
            rv2 = _rot(v2, s, bf2)
            ri2 = _rot(i2, s, bi2)
            a_top = (v1 > rv1) | ((v1 == rv1) & (i1 < ri1))
            n1 = jnp.where(a_top, v1, rv1)
            j1 = jnp.where(a_top, i1, ri1)
            lo_v = jnp.where(a_top, rv1, v1)
            lo_i = jnp.where(a_top, ri1, i1)
            cd_v = jnp.where(a_top, v2, rv2)
            cd_i = jnp.where(a_top, i2, ri2)
            lo_top = (lo_v > cd_v) | ((lo_v == cd_v) & (lo_i < cd_i))
            v2 = jnp.where(lo_top, lo_v, cd_v)
            i2 = jnp.where(lo_top, lo_i, cd_i)
            v1, i1 = n1, j1
        w1v = 1.0 / (1.0 + jnp.exp(v2 - v1))
        w2v = 1.0 - w1v
        zero = jnp.zeros((_L,), jnp.float32)
        for c in range(_CH):
            ic = iota + c * _L
            val = (jnp.where(ic == i1, w1v, zero)
                   + jnp.where(ic == i2, w2v, zero))
            ew_v[k, pl.ds(c * _L, _L)] = val
        return 0

    lax.fori_loop(0, _TPW, _token, 0)
    pltpu.sync_copy(ew_v, ew_hbm.at[pl.ds(base, _TPW), :])


def _routing_sc(g):
    mesh = plsc.VectorSubcoreMesh(core_axis_name="c", subcore_axis_name="s",
                                  num_cores=_NC)
    return pl.kernel(
        _route_body,
        out_type=jax.ShapeDtypeStruct((NTOK, NEXP), jnp.float32),
        mesh=mesh,
        scratch_types=[
            pltpu.VMEM((_TPW, NEXP), jnp.float32),
            pltpu.VMEM((_TPW, NEXP), jnp.float32),
            pltpu.VMEM((2 * _L,), jnp.float32),
            pltpu.VMEM((2 * _L,), jnp.float32),
            pltpu.VMEM((2 * _L,), jnp.int32),
            pltpu.VMEM((2 * _L,), jnp.int32),
            pltpu.SemaphoreType.DMA,
        ],
    )(g)


def _ffn_body(ew_ref, xb_ref, w1_ref, w2_ref, w3_ref, out_ref, acc_ref):
    e = pl.program_id(0)

    @pl.when(e == 0)
    def _():
        acc_ref[...] = jnp.zeros_like(acc_ref)

    xb = xb_ref[...]
    w1 = w1_ref[0].astype(jnp.bfloat16)
    w3 = w3_ref[0].astype(jnp.bfloat16)
    w2 = w2_ref[0].astype(jnp.bfloat16)
    h1 = jnp.dot(xb, w1, preferred_element_type=jnp.float32)
    h3 = jnp.dot(xb, w3, preferred_element_type=jnp.float32)
    h = (h1 * jax.nn.sigmoid(h1)) * h3
    o = jnp.dot(h.astype(jnp.bfloat16), w2, preferred_element_type=jnp.float32)
    idx = lax.broadcasted_iota(jnp.int32, ew_ref.shape, 1)
    col = jnp.sum(jnp.where(idx == e, ew_ref[...], 0.0), axis=1, keepdims=True)
    acc_ref[...] += o * col

    @pl.when(e == NEXP - 1)
    def _():
        out_ref[...] = acc_ref[...].reshape(out_ref.shape)


def kernel(inputs, Wg, W1, W2, W3):
    B, S, D = inputs.shape
    T = B * S

    g, xb = pl.pallas_call(
        _gate_body,
        out_shape=[
            jax.ShapeDtypeStruct((T, NEXP), jnp.float32),
            jax.ShapeDtypeStruct((T, D), jnp.bfloat16),
        ],
    )(inputs, Wg)

    ew = _routing_sc(g)

    out = pl.pallas_call(
        _ffn_body,
        grid=(NEXP,),
        in_specs=[
            pl.BlockSpec((T, NEXP), lambda e: (0, 0)),
            pl.BlockSpec((T, D), lambda e: (0, 0)),
            pl.BlockSpec((1, D, INTER), lambda e: (e, 0, 0)),
            pl.BlockSpec((1, INTER, D), lambda e: (e, 0, 0)),
            pl.BlockSpec((1, D, INTER), lambda e: (e, 0, 0)),
        ],
        out_specs=pl.BlockSpec((B, S, D), lambda e: (0, 0, 0)),
        out_shape=jax.ShapeDtypeStruct((B, S, D), jnp.float32),
        scratch_shapes=[
            pltpu.VMEM((T, D), jnp.float32),
        ],
        compiler_params=pltpu.CompilerParams(
            dimension_semantics=("arbitrary",),
        ),
    )(ew, xb, W1, W2, W3)
    return out

# --- scband reference (transcript-rebuilt; emitter-appended) ---
"""Pipeline reference for scband-moe-layer-60112362275165 (READ-ONLY COPY).

The authoritative reference and input builder live on the scoring server;
editing this copy changes nothing except your own understanding.
"""

import jax, jax.numpy as jnp
import numpy as np

EMBED_DIM = 768
INTERMEDIATE_DIM = 1024
NUM_EXPERTS = 64
TOP_K = 2


def setup_inputs(seed: int = 0) -> dict:
    key = jax.random.key(seed)
    kx, kg, k1, k2, k3 = jax.random.split(key, 5)
    x = jax.random.normal(kx, (32, 4, EMBED_DIM), dtype=jnp.float32)
    Wg = jax.random.normal(kg, (EMBED_DIM, NUM_EXPERTS), dtype=jnp.float32) * 0.02
    W1 = jax.random.normal(k1, (NUM_EXPERTS, EMBED_DIM, INTERMEDIATE_DIM), dtype=jnp.float32) * 0.02
    W2 = jax.random.normal(k2, (NUM_EXPERTS, INTERMEDIATE_DIM, EMBED_DIM), dtype=jnp.float32) * 0.02
    W3 = jax.random.normal(k3, (NUM_EXPERTS, EMBED_DIM, INTERMEDIATE_DIM), dtype=jnp.float32) * 0.02
    return {"inputs": x, "Wg": Wg, "W1": W1, "W2": W2, "W3": W3}


def reference(inputs, Wg, W1, W2, W3):
    B, S, D = inputs.shape
    # gate_layer: Dense(num_experts, use_bias=False)
    gate_output = jnp.einsum('bsd,de->bse', inputs, Wg)
    # top-k over experts per token
    top_values, top_indices = jax.lax.top_k(gate_output, TOP_K)
    selected_expert_weights = jax.nn.softmax(top_values, axis=-1)
    # scatter top-k softmax weights into dense [B, S, E] (indices within top-k are distinct,
    # so one-hot sum == tensor_scatter_nd_update)
    expert_weights = jnp.sum(
        jax.nn.one_hot(top_indices, NUM_EXPERTS, dtype=inputs.dtype) * selected_expert_weights[..., None],
        axis=2,
    )
    x_flat = inputs.reshape(-1, D)
    ew_flat = expert_weights.reshape(-1, NUM_EXPERTS)
    # MoeFF per expert: w2( swish(w1(x)) * w3(x) ); non-routed tokens have weight 0 so their
    # contribution is exactly 0, identical to the masked scatter-add in the original.
    h1 = jax.nn.swish(jnp.einsum('td,edh->teh', x_flat, W1))
    h3 = jnp.einsum('td,edh->teh', x_flat, W3)
    out_e = jnp.einsum('teh,ehd->ted', h1 * h3, W2)
    final_output_flat = jnp.sum(out_e * ew_flat[:, :, None], axis=1)
    return final_output_flat.reshape(B, S, D)

if __name__ == "__main__":
    import jax
    _d = setup_inputs()
    print(jax.jit(kernel)(*tuple(_d.values())))

</pallas_src>

<mosaic_0001>
#map = affine_map<(d0, d1) -> (0, 0)>
module attributes {stable_mosaic.version = 14 : i64} {
  func.func @_route_body(%arg0: i32, %arg1: i32, %arg2: memref<128x64xf32, #tpu.memory_space<hbm>>, %arg3: memref<128x64xf32, #tpu.memory_space<hbm>>, %arg4: memref<8x64xf32, #tpu.memory_space<vmem>>, %arg5: memref<8x64xf32, #tpu.memory_space<vmem>>, %arg6: memref<32xf32, #tpu.memory_space<vmem>>, %arg7: memref<32xf32, #tpu.memory_space<vmem>>, %arg8: memref<32xi32, #tpu.memory_space<vmem>>, %arg9: memref<32xi32, #tpu.memory_space<vmem>>, %arg10: memref<!tpu.dma_semaphore, #tpu.memory_space<semaphore_mem>>) attributes {dimension_semantics = [#tpu.dimension_semantics<core_parallel>, #tpu.dimension_semantics<subcore_parallel>], iteration_bounds = array<i64: 1, 16>, scalar_prefetch = 0 : i64, scratch_operands = 7 : i64, tpu.core_type = #tpu.core_type<sc_vector_subcore>, window_params = [{transform_indices = #map}, {transform_indices = #map}]} {
    %mul3A = arith.constant 1 : i32
    %mul3A_0 = arith.muli %arg1, %mul3A : i32
    %add3A = arith.addi %mul3A_0, %arg0 : i32
    %mul3A_1 = arith.constant 8 : i32
    %mul3A_2 = arith.muli %add3A, %mul3A_1 : i32
    "tpu.region"() ({
      %run_scoped3A = tpu.sem_alloc : memref<!tpu.dma_semaphore, #tpu.memory_space<semaphore_mem>>
      %dma_start3A = arith.constant 0 : i32
      %dma_start3A_9 = tpu.memref_slice %arg2[%mul3A_2, %dma_start3A] : memref<128x64xf32, #tpu.memory_space<hbm>> -> memref<8x64xf32, #tpu.memory_space<hbm>>
      %dma_start3A_10 = arith.constant 0 : i32
      %dma_start3A_11 = tpu.memref_slice %arg2[%mul3A_2, %dma_start3A_10] : memref<128x64xf32, #tpu.memory_space<hbm>> -> memref<8x64xf32, #tpu.memory_space<hbm>>
      tpu.enqueue_dma source(%dma_start3A_11 : memref<8x64xf32, #tpu.memory_space<hbm>>) target(%arg4 : memref<8x64xf32, #tpu.memory_space<vmem>>) target_semaphore(%run_scoped3A : memref<!tpu.dma_semaphore, #tpu.memory_space<semaphore_mem>>)
      %dma_wait3A = arith.constant 0 : i32
      %dma_wait3A_12 = tpu.memref_slice %arg2[%mul3A_2, %dma_wait3A] : memref<128x64xf32, #tpu.memory_space<hbm>> -> memref<8x64xf32, #tpu.memory_space<hbm>>
      %dma_wait3A_13 = arith.constant 0 : i32
      %dma_wait3A_14 = tpu.memref_slice %arg2[%mul3A_2, %dma_wait3A_13] : memref<128x64xf32, #tpu.memory_space<hbm>> -> memref<8x64xf32, #tpu.memory_space<hbm>>
      tpu.wait_dma2 semaphore(%run_scoped3A : memref<!tpu.dma_semaphore, #tpu.memory_space<semaphore_mem>>) src(%dma_wait3A_14 : memref<8x64xf32, #tpu.memory_space<hbm>>) dst(%arg4 : memref<8x64xf32, #tpu.memory_space<vmem>>)
      tpu.yield
    }) : () -> ()
    %iota3A = tpu.iota {dimensions = array<i32: 0>} : vector<16xi32>
    %scan3A = arith.constant 0 : i32
    %scan3A_3 = arith.constant 0 : i32
    %scan3A_4 = arith.constant 8 : i32
    %scan3A_5 = arith.addi %scan3A_3, %scan3A_4 : i32
    %scan3A_6 = arith.constant 1 : i32
    %scan3A_7 = scf.for %scan3A_9 = %scan3A_3 to %scan3A_5 step %scan3A_6 iter_args(%scan3A_10 = %scan3A) -> (i32)  : i32 {
      %get3A = arith.index_cast %scan3A_9 : i32 to index
      %get3A_11 = arith.constant 0 : index
      %get3A_12 = tpu.vector_load %arg4[%get3A, %get3A_11] {strides = array<i32>} : memref<8x64xf32, #tpu.memory_space<vmem>>, vector<1x16xf32>,
      %get3A_13 = vector.shape_cast %get3A_12 : vector<1x16xf32> to vector<16xf32>
      %broadcast_in_dim3A = arith.constant 0xFF800000 : f32
      %broadcast_in_dim3A_14 = vector.broadcast %broadcast_in_dim3A : f32 to vector<16xf32>
      %broadcast_in_dim3A_15 = arith.constant 64 : i32
      %broadcast_in_dim3A_16 = vector.broadcast %broadcast_in_dim3A_15 : i32 to vector<16xi32>
      %get3A_17 = arith.index_cast %scan3A_9 : i32 to index
      %get3A_18 = arith.constant 16 : index
      %get3A_19 = tpu.vector_load %arg4[%get3A_17, %get3A_18] {strides = array<i32>} : memref<8x64xf32, #tpu.memory_space<vmem>>, vector<1x16xf32>,
      %get3A_20 = vector.shape_cast %get3A_19 : vector<1x16xf32> to vector<16xf32>
      %add3A_21 = arith.constant 16 : i32
      %add3A_22 = vector.broadcast %add3A_21 : i32 to vector<16xi32>
      %add3A_23 = arith.addi %iota3A, %add3A_22 : vector<16xi32>
      %gt3A = arith.cmpf ogt, %get3A_20, %get3A_13 : vector<16xf32>
      %gt3A_24 = arith.cmpf ogt, %get3A_20, %broadcast_in_dim3A_14 : vector<16xf32>
      %select_n3A = arith.select %gt3A_24, %get3A_20, %broadcast_in_dim3A_14 : vector<16xi1>, vector<16xf32>
      %select_n3A_25 = arith.select %gt3A, %get3A_13, %select_n3A : vector<16xi1>, vector<16xf32>
      %select_n3A_26 = arith.select %gt3A_24, %add3A_23, %broadcast_in_dim3A_16 : vector<16xi1>, vector<16xi32>
      %select_n3A_27 = arith.select %gt3A, %iota3A, %select_n3A_26 : vector<16xi1>, vector<16xi32>
      %select_n3A_28 = arith.select %gt3A, %get3A_20, %get3A_13 : vector<16xi1>, vector<16xf32>
      %select_n3A_29 = arith.select %gt3A, %add3A_23, %iota3A : vector<16xi1>, vector<16xi32>
      %get3A_30 = arith.index_cast %scan3A_9 : i32 to index
      %get3A_31 = arith.constant 32 : index
      %get3A_32 = tpu.vector_load %arg4[%get3A_30, %get3A_31] {strides = array<i32>} : memref<8x64xf32, #tpu.memory_space<vmem>>, vector<1x16xf32>,
      %get3A_33 = vector.shape_cast %get3A_32 : vector<1x16xf32> to vector<16xf32>
      %add3A_34 = arith.constant 32 : i32
      %add3A_35 = vector.broadcast %add3A_34 : i32 to vector<16xi32>
      %add3A_36 = arith.addi %iota3A, %add3A_35 : vector<16xi32>
      %gt3A_37 = arith.cmpf ogt, %get3A_33, %select_n3A_28 : vector<16xf32>
      %gt3A_38 = arith.cmpf ogt, %get3A_33, %select_n3A_25 : vector<16xf32>
      %select_n3A_39 = arith.select %gt3A_38, %get3A_33, %select_n3A_25 : vector<16xi1>, vector<16xf32>
      %select_n3A_40 = arith.select %gt3A_37, %select_n3A_28, %select_n3A_39 : vector<16xi1>, vector<16xf32>
      %select_n3A_41 = arith.select %gt3A_38, %add3A_36, %select_n3A_27 : vector<16xi1>, vector<16xi32>
      %select_n3A_42 = arith.select %gt3A_37, %select_n3A_29, %select_n3A_41 : vector<16xi1>, vector<16xi32>
      %select_n3A_43 = arith.select %gt3A_37, %get3A_33, %select_n3A_28 : vector<16xi1>, vector<16xf32>
      %select_n3A_44 = arith.select %gt3A_37, %add3A_36, %select_n3A_29 : vector<16xi1>, vector<16xi32>
      %get3A_45 = arith.index_cast %scan3A_9 : i32 to index
      %get3A_46 = arith.constant 48 : index
      %get3A_47 = tpu.vector_load %arg4[%get3A_45, %get3A_46] {strides = array<i32>} : memref<8x64xf32, #tpu.memory_space<vmem>>, vector<1x16xf32>,
      %get3A_48 = vector.shape_cast %get3A_47 : vector<1x16xf32> to vector<16xf32>
      %add3A_49 = arith.constant 48 : i32
      %add3A_50 = vector.broadcast %add3A_49 : i32 to vector<16xi32>
      %add3A_51 = arith.addi %iota3A, %add3A_50 : vector<16xi32>
      %gt3A_52 = arith.cmpf ogt, %get3A_48, %select_n3A_43 : vector<16xf32>
      %gt3A_53 = arith.cmpf ogt, %get3A_48, %select_n3A_40 : vector<16xf32>
      %select_n3A_54 = arith.select %gt3A_53, %get3A_48, %select_n3A_40 : vector<16xi1>, vector<16xf32>
      %select_n3A_55 = arith.select %gt3A_52, %select_n3A_43, %select_n3A_54 : vector<16xi1>, vector<16xf32>
      %select_n3A_56 = arith.select %gt3A_53, %add3A_51, %select_n3A_42 : vector<16xi1>, vector<16xi32>
      %select_n3A_57 = arith.select %gt3A_52, %select_n3A_44, %select_n3A_56 : vector<16xi1>, vector<16xi32>
      %select_n3A_58 = arith.select %gt3A_52, %get3A_48, %select_n3A_43 : vector<16xi1>, vector<16xf32>
      %select_n3A_59 = arith.select %gt3A_52, %add3A_51, %select_n3A_44 : vector<16xi1>, vector<16xi32>
      %swap3A = arith.constant 0 : index
      %swap3A_60 = tpu.vector_load %arg6[%swap3A] {strides = array<i32>} : memref<32xf32, #tpu.memory_space<vmem>>, vector<16xf32>,
      %swap3A_61 = vector.shape_cast %swap3A_60 : vector<16xf32> to vector<16xf32>
      %swap3A_62 = vector.shape_cast %select_n3A_58 : vector<16xf32> to vector<16xf32>
      tpu.vector_store %arg6[%swap3A], %swap3A_62 {strides = array<i32>} : memref<32xf32, #tpu.memory_space<vmem>>, vector<16xf32>,
      %swap3A_63 = arith.constant 16 : index
      %swap3A_64 = tpu.vector_load %arg6[%swap3A_63] {strides = array<i32>} : memref<32xf32, #tpu.memory_space<vmem>>, vector<16xf32>,
      %swap3A_65 = vector.shape_cast %swap3A_64 : vector<16xf32> to vector<16xf32>
      %swap3A_66 = vector.shape_cast %select_n3A_58 : vector<16xf32> to vector<16xf32>
      tpu.vector_store %arg6[%swap3A_63], %swap3A_66 {strides = array<i32>} : memref<32xf32, #tpu.memory_space<vmem>>, vector<16xf32>,
      %get3A_67 = arith.constant 8 : index
      %get3A_68 = tpu.vector_load %arg6[%get3A_67] {strides = array<i32>} : memref<32xf32, #tpu.memory_space<vmem>>, vector<16xf32>,
      %get3A_69 = vector.shape_cast %get3A_68 : vector<16xf32> to vector<16xf32>
      %swap3A_70 = arith.constant 0 : index
      %swap3A_71 = tpu.vector_load %arg8[%swap3A_70] {strides = array<i32>} : memref<32xi32, #tpu.memory_space<vmem>>, vector<16xi32>,
      %swap3A_72 = vector.shape_cast %swap3A_71 : vector<16xi32> to vector<16xi32>
      %swap3A_73 = vector.shape_cast %select_n3A_59 : vector<16xi32> to vector<16xi32>
      tpu.vector_store %arg8[%swap3A_70], %swap3A_73 {strides = array<i32>} : memref<32xi32, #tpu.memory_space<vmem>>, vector<16xi32>,
      %swap3A_74 = arith.constant 16 : index
      %swap3A_75 = tpu.vector_load %arg8[%swap3A_74] {strides = array<i32>} : memref<32xi32, #tpu.memory_space<vmem>>, vector<16xi32>,
      %swap3A_76 = vector.shape_cast %swap3A_75 : vector<16xi32> to vector<16xi32>
      %swap3A_77 = vector.shape_cast %select_n3A_59 : vector<16xi32> to vector<16xi32>
      tpu.vector_store %arg8[%swap3A_74], %swap3A_77 {strides = array<i32>} : memref<32xi32, #tpu.memory_space<vmem>>, vector<16xi32>,
      %get3A_78 = arith.constant 8 : index
      %get3A_79 = tpu.vector_load %arg8[%get3A_78] {strides = array<i32>} : memref<32xi32, #tpu.memory_space<vmem>>, vector<16xi32>,
      %get3A_80 = vector.shape_cast %get3A_79 : vector<16xi32> to vector<16xi32>
      %swap3A_81 = arith.constant 0 : index
      %swap3A_82 = tpu.vector_load %arg7[%swap3A_81] {strides = array<i32>} : memref<32xf32, #tpu.memory_space<vmem>>, vector<16xf32>,
      %swap3A_83 = vector.shape_cast %swap3A_82 : vector<16xf32> to vector<16xf32>
      %swap3A_84 = vector.shape_cast %select_n3A_55 : vector<16xf32> to vector<16xf32>
      tpu.vector_store %arg7[%swap3A_81], %swap3A_84 {strides = array<i32>} : memref<32xf32, #tpu.memory_space<vmem>>, vector<16xf32>,
      %swap3A_85 = arith.constant 16 : index
      %swap3A_86 = tpu.vector_load %arg7[%swap3A_85] {strides = array<i32>} : memref<32xf32, #tpu.memory_space<vmem>>, vector<16xf32>,
      %swap3A_87 = vector.shape_cast %swap3A_86 : vector<16xf32> to vector<16xf32>
      %swap3A_88 = vector.shape_cast %select_n3A_55 : vector<16xf32> to vector<16xf32>
      tpu.vector_store %arg7[%swap3A_85], %swap3A_88 {strides = array<i32>} : memref<32xf32, #tpu.memory_space<vmem>>, vector<16xf32>,
      %get3A_89 = arith.constant 8 : index
      %get3A_90 = tpu.vector_load %arg7[%get3A_89] {strides = array<i32>} : memref<32xf32, #tpu.memory_space<vmem>>, vector<16xf32>,
      %get3A_91 = vector.shape_cast %get3A_90 : vector<16xf32> to vector<16xf32>
      %swap3A_92 = arith.constant 0 : index
      %swap3A_93 = tpu.vector_load %arg9[%swap3A_92] {strides = array<i32>} : memref<32xi32, #tpu.memory_space<vmem>>, vector<16xi32>,
      %swap3A_94 = vector.shape_cast %swap3A_93 : vector<16xi32> to vector<16xi32>
      %swap3A_95 = vector.shape_cast %select_n3A_57 : vector<16xi32> to vector<16xi32>
      tpu.vector_store %arg9[%swap3A_92], %swap3A_95 {strides = array<i32>} : memref<32xi32, #tpu.memory_space<vmem>>, vector<16xi32>,
      %swap3A_96 = arith.constant 16 : index
      %swap3A_97 = tpu.vector_load %arg9[%swap3A_96] {strides = array<i32>} : memref<32xi32, #tpu.memory_space<vmem>>, vector<16xi32>,
      %swap3A_98 = vector.shape_cast %swap3A_97 : vector<16xi32> to vector<16xi32>
      %swap3A_99 = vector.shape_cast %select_n3A_57 : vector<16xi32> to vector<16xi32>
      tpu.vector_store %arg9[%swap3A_96], %swap3A_99 {strides = array<i32>} : memref<32xi32, #tpu.memory_space<vmem>>, vector<16xi32>,
      %get3A_100 = arith.constant 8 : index
      %get3A_101 = tpu.vector_load %arg9[%get3A_100] {strides = array<i32>} : memref<32xi32, #tpu.memory_space<vmem>>, vector<16xi32>,
      %get3A_102 = vector.shape_cast %get3A_101 : vector<16xi32> to vector<16xi32>
      %gt3A_103 = arith.cmpf ogt, %select_n3A_58, %get3A_69 : vector<16xf32>
      %eq3A = arith.cmpf oeq, %select_n3A_58, %get3A_69 : vector<16xf32>
      %lt3A = arith.cmpi slt, %select_n3A_59, %get3A_80 : vector<16xi32>
      %and3A = arith.andi %eq3A, %lt3A : vector<16xi1>
      %or3A = arith.ori %gt3A_103, %and3A : vector<16xi1>
      %select_n3A_104 = arith.select %or3A, %select_n3A_58, %get3A_69 : vector<16xi1>, vector<16xf32>
      %select_n3A_105 = arith.select %or3A, %select_n3A_59, %get3A_80 : vector<16xi1>, vector<16xi32>
      %select_n3A_106 = arith.select %or3A, %get3A_69, %select_n3A_58 : vector<16xi1>, vector<16xf32>
      %select_n3A_107 = arith.select %or3A, %get3A_80, %select_n3A_59 : vector<16xi1>, vector<16xi32>
      %select_n3A_108 = arith.select %or3A, %select_n3A_55, %get3A_91 : vector<16xi1>, vector<16xf32>
      %select_n3A_109 = arith.select %or3A, %select_n3A_57, %get3A_102 : vector<16xi1>, vector<16xi32>
      %gt3A_110 = arith.cmpf ogt, %select_n3A_106, %select_n3A_108 : vector<16xf32>
      %eq3A_111 = arith.cmpf oeq, %select_n3A_106, %select_n3A_108 : vector<16xf32>
      %lt3A_112 = arith.cmpi slt, %select_n3A_107, %select_n3A_109 : vector<16xi32>
      %and3A_113 = arith.andi %eq3A_111, %lt3A_112 : vector<16xi1>
      %or3A_114 = arith.ori %gt3A_110, %and3A_113 : vector<16xi1>
      %select_n3A_115 = arith.select %or3A_114, %select_n3A_106, %select_n3A_108 : vector<16xi1>, vector<16xf32>
      %select_n3A_116 = arith.select %or3A_114, %select_n3A_107, %select_n3A_109 : vector<16xi1>, vector<16xi32>
      %swap3A_117 = arith.constant 0 : index
      %swap3A_118 = tpu.vector_load %arg6[%swap3A_117] {strides = array<i32>} : memref<32xf32, #tpu.memory_space<vmem>>, vector<16xf32>,
      %swap3A_119 = vector.shape_cast %swap3A_118 : vector<16xf32> to vector<16xf32>
      %swap3A_120 = vector.shape_cast %select_n3A_104 : vector<16xf32> to vector<16xf32>
      tpu.vector_store %arg6[%swap3A_117], %swap3A_120 {strides = array<i32>} : memref<32xf32, #tpu.memory_space<vmem>>, vector<16xf32>,
      %swap3A_121 = arith.constant 16 : index
      %swap3A_122 = tpu.vector_load %arg6[%swap3A_121] {strides = array<i32>} : memref<32xf32, #tpu.memory_space<vmem>>, vector<16xf32>,
      %swap3A_123 = vector.shape_cast %swap3A_122 : vector<16xf32> to vector<16xf32>
      %swap3A_124 = vector.shape_cast %select_n3A_104 : vector<16xf32> to vector<16xf32>
      tpu.vector_store %arg6[%swap3A_121], %swap3A_124 {strides = array<i32>} : memref<32xf32, #tpu.memory_space<vmem>>, vector<16xf32>,
      %get3A_125 = arith.constant 4 : index
      %get3A_126 = tpu.vector_load %arg6[%get3A_125] {strides = array<i32>} : memref<32xf32, #tpu.memory_space<vmem>>, vector<16xf32>,
      %get3A_127 = vector.shape_cast %get3A_126 : vector<16xf32> to vector<16xf32>
      %swap3A_128 = arith.constant 0 : index
      %swap3A_129 = tpu.vector_load %arg8[%swap3A_128] {strides = array<i32>} : memref<32xi32, #tpu.memory_space<vmem>>, vector<16xi32>,
      %swap3A_130 = vector.shape_cast %swap3A_129 : vector<16xi32> to vector<16xi32>
      %swap3A_131 = vector.shape_cast %select_n3A_105 : vector<16xi32> to vector<16xi32>
      tpu.vector_store %arg8[%swap3A_128], %swap3A_131 {strides = array<i32>} : memref<32xi32, #tpu.memory_space<vmem>>, vector<16xi32>,
      %swap3A_132 = arith.constant 16 : index
      %swap3A_133 = tpu.vector_load %arg8[%swap3A_132] {strides = array<i32>} : memref<32xi32, #tpu.memory_space<vmem>>, vector<16xi32>,
      %swap3A_134 = vector.shape_cast %swap3A_133 : vector<16xi32> to vector<16xi32>
      %swap3A_135 = vector.shape_cast %select_n3A_105 : vector<16xi32> to vector<16xi32>
      tpu.vector_store %arg8[%swap3A_132], %swap3A_135 {strides = array<i32>} : memref<32xi32, #tpu.memory_space<vmem>>, vector<16xi32>,
      %get3A_136 = arith.constant 4 : index
      %get3A_137 = tpu.vector_load %arg8[%get3A_136] {strides = array<i32>} : memref<32xi32, #tpu.memory_space<vmem>>, vector<16xi32>,
      %get3A_138 = vector.shape_cast %get3A_137 : vector<16xi32> to vector<16xi32>
      %swap3A_139 = arith.constant 0 : index
      %swap3A_140 = tpu.vector_load %arg7[%swap3A_139] {strides = array<i32>} : memref<32xf32, #tpu.memory_space<vmem>>, vector<16xf32>,
      %swap3A_141 = vector.shape_cast %swap3A_140 : vector<16xf32> to vector<16xf32>
      %swap3A_142 = vector.shape_cast %select_n3A_115 : vector<16xf32> to vector<16xf32>
      tpu.vector_store %arg7[%swap3A_139], %swap3A_142 {strides = array<i32>} : memref<32xf32, #tpu.memory_space<vmem>>, vector<16xf32>,
      %swap3A_143 = arith.constant 16 : index
      %swap3A_144 = tpu.vector_load %arg7[%swap3A_143] {strides = array<i32>} : memref<32xf32, #tpu.memory_space<vmem>>, vector<16xf32>,
      %swap3A_145 = vector.shape_cast %swap3A_144 : vector<16xf32> to vector<16xf32>
      %swap3A_146 = vector.shape_cast %select_n3A_115 : vector<16xf32> to vector<16xf32>
      tpu.vector_store %arg7[%swap3A_143], %swap3A_146 {strides = array<i32>} : memref<32xf32, #tpu.memory_space<vmem>>, vector<16xf32>,
      %get3A_147 = arith.constant 4 : index
      %get3A_148 = tpu.vector_load %arg7[%get3A_147] {strides = array<i32>} : memref<32xf32, #tpu.memory_space<vmem>>, vector<16xf32>,
      %get3A_149 = vector.shape_cast %get3A_148 : vector<16xf32> to vector<16xf32>
      %swap3A_150 = arith.constant 0 : index
      %swap3A_151 = tpu.vector_load %arg9[%swap3A_150] {strides = array<i32>} : memref<32xi32, #tpu.memory_space<vmem>>, vector<16xi32>,
      %swap3A_152 = vector.shape_cast %swap3A_151 : vector<16xi32> to vector<16xi32>
      %swap3A_153 = vector.shape_cast %select_n3A_116 : vector<16xi32> to vector<16xi32>
      tpu.vector_store %arg9[%swap3A_150], %swap3A_153 {strides = array<i32>} : memref<32xi32, #tpu.memory_space<vmem>>, vector<16xi32>,
      %swap3A_154 = arith.constant 16 : index
      %swap3A_155 = tpu.vector_load %arg9[%swap3A_154] {strides = array<i32>} : memref<32xi32, #tpu.memory_space<vmem>>, vector<16xi32>,
      %swap3A_156 = vector.shape_cast %swap3A_155 : vector<16xi32> to vector<16xi32>
      %swap3A_157 = vector.shape_cast %select_n3A_116 : vector<16xi32> to vector<16xi32>
      tpu.vector_store %arg9[%swap3A_154], %swap3A_157 {strides = array<i32>} : memref<32xi32, #tpu.memory_space<vmem>>, vector<16xi32>,
      %get3A_158 = arith.constant 4 : index
      %get3A_159 = tpu.vector_load %arg9[%get3A_158] {strides = array<i32>} : memref<32xi32, #tpu.memory_space<vmem>>, vector<16xi32>,
      %get3A_160 = vector.shape_cast %get3A_159 : vector<16xi32> to vector<16xi32>
      %gt3A_161 = arith.cmpf ogt, %select_n3A_104, %get3A_127 : vector<16xf32>
      %eq3A_162 = arith.cmpf oeq, %select_n3A_104, %get3A_127 : vector<16xf32>
      %lt3A_163 = arith.cmpi slt, %select_n3A_105, %get3A_138 : vector<16xi32>
      %and3A_164 = arith.andi %eq3A_162, %lt3A_163 : vector<16xi1>
      %or3A_165 = arith.ori %gt3A_161, %and3A_164 : vector<16xi1>
      %select_n3A_166 = arith.select %or3A_165, %select_n3A_104, %get3A_127 : vector<16xi1>, vector<16xf32>
      %select_n3A_167 = arith.select %or3A_165, %select_n3A_105, %get3A_138 : vector<16xi1>, vector<16xi32>
      %select_n3A_168 = arith.select %or3A_165, %get3A_127, %select_n3A_104 : vector<16xi1>, vector<16xf32>
      %select_n3A_169 = arith.select %or3A_165, %get3A_138, %select_n3A_105 : vector<16xi1>, vector<16xi32>
      %select_n3A_170 = arith.select %or3A_165, %select_n3A_115, %get3A_149 : vector<16xi1>, vector<16xf32>
      %select_n3A_171 = arith.select %or3A_165, %select_n3A_116, %get3A_160 : vector<16xi1>, vector<16xi32>
      %gt3A_172 = arith.cmpf ogt, %select_n3A_168, %select_n3A_170 : vector<16xf32>
      %eq3A_173 = arith.cmpf oeq, %select_n3A_168, %select_n3A_170 : vector<16xf32>
      %lt3A_174 = arith.cmpi slt, %select_n3A_169, %select_n3A_171 : vector<16xi32>
      %and3A_175 = arith.andi %eq3A_173, %lt3A_174 : vector<16xi1>
      %or3A_176 = arith.ori %gt3A_172, %and3A_175 : vector<16xi1>
      %select_n3A_177 = arith.select %or3A_176, %select_n3A_168, %select_n3A_170 : vector<16xi1>, vector<16xf32>
      %select_n3A_178 = arith.select %or3A_176, %select_n3A_169, %select_n3A_171 : vector<16xi1>, vector<16xi32>
      %swap3A_179 = arith.constant 0 : index
      %swap3A_180 = tpu.vector_load %arg6[%swap3A_179] {strides = array<i32>} : memref<32xf32, #tpu.memory_space<vmem>>, vector<16xf32>,
      %swap3A_181 = vector.shape_cast %swap3A_180 : vector<16xf32> to vector<16xf32>
      %swap3A_182 = vector.shape_cast %select_n3A_166 : vector<16xf32> to vector<16xf32>
      tpu.vector_store %arg6[%swap3A_179], %swap3A_182 {strides = array<i32>} : memref<32xf32, #tpu.memory_space<vmem>>, vector<16xf32>,
      %swap3A_183 = arith.constant 16 : index
      %swap3A_184 = tpu.vector_load %arg6[%swap3A_183] {strides = array<i32>} : memref<32xf32, #tpu.memory_space<vmem>>, vector<16xf32>,
      %swap3A_185 = vector.shape_cast %swap3A_184 : vector<16xf32> to vector<16xf32>
      %swap3A_186 = vector.shape_cast %select_n3A_166 : vector<16xf32> to vector<16xf32>
      tpu.vector_store %arg6[%swap3A_183], %swap3A_186 {strides = array<i32>} : memref<32xf32, #tpu.memory_space<vmem>>, vector<16xf32>,
      %get3A_187 = arith.constant 2 : index
      %get3A_188 = tpu.vector_load %arg6[%get3A_187] {strides = array<i32>} : memref<32xf32, #tpu.memory_space<vmem>>, vector<16xf32>,
      %get3A_189 = vector.shape_cast %get3A_188 : vector<16xf32> to vector<16xf32>
      %swap3A_190 = arith.constant 0 : index
      %swap3A_191 = tpu.vector_load %arg8[%swap3A_190] {strides = array<i32>} : memref<32xi32, #tpu.memory_space<vmem>>, vector<16xi32>,
      %swap3A_192 = vector.shape_cast %swap3A_191 : vector<16xi32> to vector<16xi32>
      %swap3A_193 = vector.shape_cast %select_n3A_167 : vector<16xi32> to vector<16xi32>
      tpu.vector_store %arg8[%swap3A_190], %swap3A_193 {strides = array<i32>} : memref<32xi32, #tpu.memory_space<vmem>>, vector<16xi32>,
      %swap3A_194 = arith.constant 16 : index
      %swap3A_195 = tpu.vector_load %arg8[%swap3A_194] {strides = array<i32>} : memref<32xi32, #tpu.memory_space<vmem>>, vector<16xi32>,
      %swap3A_196 = vector.shape_cast %swap3A_195 : vector<16xi32> to vector<16xi32>
      %swap3A_197 = vector.shape_cast %select_n3A_167 : vector<16xi32> to vector<16xi32>
      tpu.vector_store %arg8[%swap3A_194], %swap3A_197 {strides = array<i32>} : memref<32xi32, #tpu.memory_space<vmem>>, vector<16xi32>,
      %get3A_198 = arith.constant 2 : index
      %get3A_199 = tpu.vector_load %arg8[%get3A_198] {strides = array<i32>} : memref<32xi32, #tpu.memory_space<vmem>>, vector<16xi32>,
      %get3A_200 = vector.shape_cast %get3A_199 : vector<16xi32> to vector<16xi32>
      %swap3A_201 = arith.constant 0 : index
      %swap3A_202 = tpu.vector_load %arg7[%swap3A_201] {strides = array<i32>} : memref<32xf32, #tpu.memory_space<vmem>>, vector<16xf32>,
      %swap3A_203 = vector.shape_cast %swap3A_202 : vector<16xf32> to vector<16xf32>
      %swap3A_204 = vector.shape_cast %select_n3A_177 : vector<16xf32> to vector<16xf32>
      tpu.vector_store %arg7[%swap3A_201], %swap3A_204 {strides = array<i32>} : memref<32xf32, #tpu.memory_space<vmem>>, vector<16xf32>,
      %swap3A_205 = arith.constant 16 : index
      %swap3A_206 = tpu.vector_load %arg7[%swap3A_205] {strides = array<i32>} : memref<32xf32, #tpu.memory_space<vmem>>, vector<16xf32>,
      %swap3A_207 = vector.shape_cast %swap3A_206 : vector<16xf32> to vector<16xf32>
      %swap3A_208 = vector.shape_cast %select_n3A_177 : vector<16xf32> to vector<16xf32>
      tpu.vector_store %arg7[%swap3A_205], %swap3A_208 {strides = array<i32>} : memref<32xf32, #tpu.memory_space<vmem>>, vector<16xf32>,
      %get3A_209 = arith.constant 2 : index
      %get3A_210 = tpu.vector_load %arg7[%get3A_209] {strides = array<i32>} : memref<32xf32, #tpu.memory_space<vmem>>, vector<16xf32>,
      %get3A_211 = vector.shape_cast %get3A_210 : vector<16xf32> to vector<16xf32>
      %swap3A_212 = arith.constant 0 : index
      %swap3A_213 = tpu.vector_load %arg9[%swap3A_212] {strides = array<i32>} : memref<32xi32, #tpu.memory_space<vmem>>, vector<16xi32>,
      %swap3A_214 = vector.shape_cast %swap3A_213 : vector<16xi32> to vector<16xi32>
      %swap3A_215 = vector.shape_cast %select_n3A_178 : vector<16xi32> to vector<16xi32>
      tpu.vector_store %arg9[%swap3A_212], %swap3A_215 {strides = array<i32>} : memref<32xi32, #tpu.memory_space<vmem>>, vector<16xi32>,
      %swap3A_216 = arith.constant 16 : index
      %swap3A_217 = tpu.vector_load %arg9[%swap3A_216] {strides = array<i32>} : memref<32xi32, #tpu.memory_space<vmem>>, vector<16xi32>,
      %swap3A_218 = vector.shape_cast %swap3A_217 : vector<16xi32> to vector<16xi32>
      %swap3A_219 = vector.shape_cast %select_n3A_178 : vector<16xi32> to vector<16xi32>
      tpu.vector_store %arg9[%swap3A_216], %swap3A_219 {strides = array<i32>} : memref<32xi32, #tpu.memory_space<vmem>>, vector<16xi32>,
      %get3A_220 = arith.constant 2 : index
      %get3A_221 = tpu.vector_load %arg9[%get3A_220] {strides = array<i32>} : memref<32xi32, #tpu.memory_space<vmem>>, vector<16xi32>,
      %get3A_222 = vector.shape_cast %get3A_221 : vector<16xi32> to vector<16xi32>
      %gt3A_223 = arith.cmpf ogt, %select_n3A_166, %get3A_189 : vector<16xf32>
      %eq3A_224 = arith.cmpf oeq, %select_n3A_166, %get3A_189 : vector<16xf32>
      %lt3A_225 = arith.cmpi slt, %select_n3A_167, %get3A_200 : vector<16xi32>
      %and3A_226 = arith.andi %eq3A_224, %lt3A_225 : vector<16xi1>
      %or3A_227 = arith.ori %gt3A_223, %and3A_226 : vector<16xi1>
      %select_n3A_228 = arith.select %or3A_227, %select_n3A_166, %get3A_189 : vector<16xi1>, vector<16xf32>
      %select_n3A_229 = arith.select %or3A_227, %select_n3A_167, %get3A_200 : vector<16xi1>, vector<16xi32>
      %select_n3A_230 = arith.select %or3A_227, %get3A_189, %select_n3A_166 : vector<16xi1>, vector<16xf32>
      %select_n3A_231 = arith.select %or3A_227, %get3A_200, %select_n3A_167 : vector<16xi1>, vector<16xi32>
      %select_n3A_232 = arith.select %or3A_227, %select_n3A_177, %get3A_211 : vector<16xi1>, vector<16xf32>
      %select_n3A_233 = arith.select %or3A_227, %select_n3A_178, %get3A_222 : vector<16xi1>, vector<16xi32>
      %gt3A_234 = arith.cmpf ogt, %select_n3A_230, %select_n3A_232 : vector<16xf32>
      %eq3A_235 = arith.cmpf oeq, %select_n3A_230, %select_n3A_232 : vector<16xf32>
      %lt3A_236 = arith.cmpi slt, %select_n3A_231, %select_n3A_233 : vector<16xi32>
      %and3A_237 = arith.andi %eq3A_235, %lt3A_236 : vector<16xi1>
      %or3A_238 = arith.ori %gt3A_234, %and3A_237 : vector<16xi1>
      %select_n3A_239 = arith.select %or3A_238, %select_n3A_230, %select_n3A_232 : vector<16xi1>, vector<16xf32>
      %select_n3A_240 = arith.select %or3A_238, %select_n3A_231, %select_n3A_233 : vector<16xi1>, vector<16xi32>
      %swap3A_241 = arith.constant 0 : index
      %swap3A_242 = tpu.vector_load %arg6[%swap3A_241] {strides = array<i32>} : memref<32xf32, #tpu.memory_space<vmem>>, vector<16xf32>,
      %swap3A_243 = vector.shape_cast %swap3A_242 : vector<16xf32> to vector<16xf32>
      %swap3A_244 = vector.shape_cast %select_n3A_228 : vector<16xf32> to vector<16xf32>
      tpu.vector_store %arg6[%swap3A_241], %swap3A_244 {strides = array<i32>} : memref<32xf32, #tpu.memory_space<vmem>>, vector<16xf32>,
      %swap3A_245 = arith.constant 16 : index
      %swap3A_246 = tpu.vector_load %arg6[%swap3A_245] {strides = array<i32>} : memref<32xf32, #tpu.memory_space<vmem>>, vector<16xf32>,
      %swap3A_247 = vector.shape_cast %swap3A_246 : vector<16xf32> to vector<16xf32>
      %swap3A_248 = vector.shape_cast %select_n3A_228 : vector<16xf32> to vector<16xf32>
      tpu.vector_store %arg6[%swap3A_245], %swap3A_248 {strides = array<i32>} : memref<32xf32, #tpu.memory_space<vmem>>, vector<16xf32>,
      %get3A_249 = arith.constant 1 : index
      %get3A_250 = tpu.vector_load %arg6[%get3A_249] {strides = array<i32>} : memref<32xf32, #tpu.memory_space<vmem>>, vector<16xf32>,
      %get3A_251 = vector.shape_cast %get3A_250 : vector<16xf32> to vector<16xf32>
      %swap3A_252 = arith.constant 0 : index
      %swap3A_253 = tpu.vector_load %arg8[%swap3A_252] {strides = array<i32>} : memref<32xi32, #tpu.memory_space<vmem>>, vector<16xi32>,
      %swap3A_254 = vector.shape_cast %swap3A_253 : vector<16xi32> to vector<16xi32>
      %swap3A_255 = vector.shape_cast %select_n3A_229 : vector<16xi32> to vector<16xi32>
      tpu.vector_store %arg8[%swap3A_252], %swap3A_255 {strides = array<i32>} : memref<32xi32, #tpu.memory_space<vmem>>, vector<16xi32>,
      %swap3A_256 = arith.constant 16 : index
      %swap3A_257 = tpu.vector_load %arg8[%swap3A_256] {strides = array<i32>} : memref<32xi32, #tpu.memory_space<vmem>>, vector<16xi32>,
      %swap3A_258 = vector.shape_cast %swap3A_257 : vector<16xi32> to vector<16xi32>
      %swap3A_259 = vector.shape_cast %select_n3A_229 : vector<16xi32> to vector<16xi32>
      tpu.vector_store %arg8[%swap3A_256], %swap3A_259 {strides = array<i32>} : memref<32xi32, #tpu.memory_space<vmem>>, vector<16xi32>,
      %get3A_260 = arith.constant 1 : index
      %get3A_261 = tpu.vector_load %arg8[%get3A_260] {strides = array<i32>} : memref<32xi32, #tpu.memory_space<vmem>>, vector<16xi32>,
      %get3A_262 = vector.shape_cast %get3A_261 : vector<16xi32> to vector<16xi32>
      %swap3A_263 = arith.constant 0 : index
      %swap3A_264 = tpu.vector_load %arg7[%swap3A_263] {strides = array<i32>} : memref<32xf32, #tpu.memory_space<vmem>>, vector<16xf32>,
      %swap3A_265 = vector.shape_cast %swap3A_264 : vector<16xf32> to vector<16xf32>
      %swap3A_266 = vector.shape_cast %select_n3A_239 : vector<16xf32> to vector<16xf32>
      tpu.vector_store %arg7[%swap3A_263], %swap3A_266 {strides = array<i32>} : memref<32xf32, #tpu.memory_space<vmem>>, vector<16xf32>,
      %swap3A_267 = arith.constant 16 : index
      %swap3A_268 = tpu.vector_load %arg7[%swap3A_267] {strides = array<i32>} : memref<32xf32, #tpu.memory_space<vmem>>, vector<16xf32>,
      %swap3A_269 = vector.shape_cast %swap3A_268 : vector<16xf32> to vector<16xf32>
      %swap3A_270 = vector.shape_cast %select_n3A_239 : vector<16xf32> to vector<16xf32>
      tpu.vector_store %arg7[%swap3A_267], %swap3A_270 {strides = array<i32>} : memref<32xf32, #tpu.memory_space<vmem>>, vector<16xf32>,
      %get3A_271 = arith.constant 1 : index
      %get3A_272 = tpu.vector_load %arg7[%get3A_271] {strides = array<i32>} : memref<32xf32, #tpu.memory_space<vmem>>, vector<16xf32>,
      %get3A_273 = vector.shape_cast %get3A_272 : vector<16xf32> to vector<16xf32>
      %swap3A_274 = arith.constant 0 : index
      %swap3A_275 = tpu.vector_load %arg9[%swap3A_274] {strides = array<i32>} : memref<32xi32, #tpu.memory_space<vmem>>, vector<16xi32>,
      %swap3A_276 = vector.shape_cast %swap3A_275 : vector<16xi32> to vector<16xi32>
      %swap3A_277 = vector.shape_cast %select_n3A_240 : vector<16xi32> to vector<16xi32>
      tpu.vector_store %arg9[%swap3A_274], %swap3A_277 {strides = array<i32>} : memref<32xi32, #tpu.memory_space<vmem>>, vector<16xi32>,
      %swap3A_278 = arith.constant 16 : index
      %swap3A_279 = tpu.vector_load %arg9[%swap3A_278] {strides = array<i32>} : memref<32xi32, #tpu.memory_space<vmem>>, vector<16xi32>,
      %swap3A_280 = vector.shape_cast %swap3A_279 : vector<16xi32> to vector<16xi32>
      %swap3A_281 = vector.shape_cast %select_n3A_240 : vector<16xi32> to vector<16xi32>
      tpu.vector_store %arg9[%swap3A_278], %swap3A_281 {strides = array<i32>} : memref<32xi32, #tpu.memory_space<vmem>>, vector<16xi32>,
      %get3A_282 = arith.constant 1 : index
      %get3A_283 = tpu.vector_load %arg9[%get3A_282] {strides = array<i32>} : memref<32xi32, #tpu.memory_space<vmem>>, vector<16xi32>,
      %get3A_284 = vector.shape_cast %get3A_283 : vector<16xi32> to vector<16xi32>
      %gt3A_285 = arith.cmpf ogt, %select_n3A_228, %get3A_251 : vector<16xf32>
      %eq3A_286 = arith.cmpf oeq, %select_n3A_228, %get3A_251 : vector<16xf32>
      %lt3A_287 = arith.cmpi slt, %select_n3A_229, %get3A_262 : vector<16xi32>
      %and3A_288 = arith.andi %eq3A_286, %lt3A_287 : vector<16xi1>
      %or3A_289 = arith.ori %gt3A_285, %and3A_288 : vector<16xi1>
      %select_n3A_290 = arith.select %or3A_289, %select_n3A_228, %get3A_251 : vector<16xi1>, vector<16xf32>
      %select_n3A_291 = arith.select %or3A_289, %select_n3A_229, %get3A_262 : vector<16xi1>, vector<16xi32>
      %select_n3A_292 = arith.select %or3A_289, %get3A_251, %select_n3A_228 : vector<16xi1>, vector<16xf32>
      %select_n3A_293 = arith.select %or3A_289, %get3A_262, %select_n3A_229 : vector<16xi1>, vector<16xi32>
      %select_n3A_294 = arith.select %or3A_289, %select_n3A_239, %get3A_273 : vector<16xi1>, vector<16xf32>
      %select_n3A_295 = arith.select %or3A_289, %select_n3A_240, %get3A_284 : vector<16xi1>, vector<16xi32>
      %gt3A_296 = arith.cmpf ogt, %select_n3A_292, %select_n3A_294 : vector<16xf32>
      %eq3A_297 = arith.cmpf oeq, %select_n3A_292, %select_n3A_294 : vector<16xf32>
      %lt3A_298 = arith.cmpi slt, %select_n3A_293, %select_n3A_295 : vector<16xi32>
      %and3A_299 = arith.andi %eq3A_297, %lt3A_298 : vector<16xi1>
      %or3A_300 = arith.ori %gt3A_296, %and3A_299 : vector<16xi1>
      %select_n3A_301 = arith.select %or3A_300, %select_n3A_292, %select_n3A_294 : vector<16xi1>, vector<16xf32>
      %select_n3A_302 = arith.select %or3A_300, %select_n3A_293, %select_n3A_295 : vector<16xi1>, vector<16xi32>
      %sub3A = arith.subf %select_n3A_301, %select_n3A_290 : vector<16xf32>
      %exp3A = math.exp %sub3A : vector<16xf32>
      %add3A_303 = arith.constant 1.000000e+00 : f32
      %add3A_304 = vector.broadcast %add3A_303 : f32 to vector<16xf32>
      %add3A_305 = arith.addf %add3A_304, %exp3A : vector<16xf32>
      %div3A = arith.constant 1.000000e+00 : f32
      %div3A_306 = vector.broadcast %div3A : f32 to vector<16xf32>
      %div3A_307 = arith.divf %div3A_306, %add3A_305 : vector<16xf32>
      %sub3A_308 = arith.constant 1.000000e+00 : f32
      %sub3A_309 = vector.broadcast %sub3A_308 : f32 to vector<16xf32>
      %sub3A_310 = arith.subf %sub3A_309, %div3A_307 : vector<16xf32>
      %broadcast_in_dim3A_311 = arith.constant 0.000000e+00 : f32
      %broadcast_in_dim3A_312 = vector.broadcast %broadcast_in_dim3A_311 : f32 to vector<16xf32>
      %add3A_313 = arith.constant 0 : i32
      %add3A_314 = vector.broadcast %add3A_313 : i32 to vector<16xi32>
      %add3A_315 = arith.addi %iota3A, %add3A_314 : vector<16xi32>
      %eq3A_316 = arith.cmpi eq, %add3A_315, %select_n3A_291 : vector<16xi32>
      %select_n3A_317 = arith.select %eq3A_316, %div3A_307, %broadcast_in_dim3A_312 : vector<16xi1>, vector<16xf32>
      %eq3A_318 = arith.cmpi eq, %add3A_315, %select_n3A_302 : vector<16xi32>
      %select_n3A_319 = arith.select %eq3A_318, %sub3A_310, %broadcast_in_dim3A_312 : vector<16xi1>, vector<16xf32>
      %add3A_320 = arith.addf %select_n3A_317, %select_n3A_319 : vector<16xf32>
      %swap3A_321 = arith.index_cast %scan3A_9 : i32 to index
      %swap3A_322 = arith.constant 0 : index
      %swap3A_323 = tpu.vector_load %arg5[%swap3A_321, %swap3A_322] {strides = array<i32>} : memref<8x64xf32, #tpu.memory_space<vmem>>, vector<1x16xf32>,
      %swap3A_324 = vector.shape_cast %swap3A_323 : vector<1x16xf32> to vector<16xf32>
      %swap3A_325 = vector.shape_cast %add3A_320 : vector<16xf32> to vector<1x16xf32>
      tpu.vector_store %arg5[%swap3A_321, %swap3A_322], %swap3A_325 {strides = array<i32>} : memref<8x64xf32, #tpu.memory_space<vmem>>, vector<1x16xf32>,
      %add3A_326 = arith.constant 16 : i32
      %add3A_327 = vector.broadcast %add3A_326 : i32 to vector<16xi32>
      %add3A_328 = arith.addi %iota3A, %add3A_327 : vector<16xi32>
      %eq3A_329 = arith.cmpi eq, %add3A_328, %select_n3A_291 : vector<16xi32>
      %select_n3A_330 = arith.select %eq3A_329, %div3A_307, %broadcast_in_dim3A_312 : vector<16xi1>, vector<16xf32>
      %eq3A_331 = arith.cmpi eq, %add3A_328, %select_n3A_302 : vector<16xi32>
      %select_n3A_332 = arith.select %eq3A_331, %sub3A_310, %broadcast_in_dim3A_312 : vector<16xi1>, vector<16xf32>
      %add3A_333 = arith.addf %select_n3A_330, %select_n3A_332 : vector<16xf32>
      %swap3A_334 = arith.index_cast %scan3A_9 : i32 to index
      %swap3A_335 = arith.constant 16 : index
      %swap3A_336 = tpu.vector_load %arg5[%swap3A_334, %swap3A_335] {strides = array<i32>} : memref<8x64xf32, #tpu.memory_space<vmem>>, vector<1x16xf32>,
      %swap3A_337 = vector.shape_cast %swap3A_336 : vector<1x16xf32> to vector<16xf32>
      %swap3A_338 = vector.shape_cast %add3A_333 : vector<16xf32> to vector<1x16xf32>
      tpu.vector_store %arg5[%swap3A_334, %swap3A_335], %swap3A_338 {strides = array<i32>} : memref<8x64xf32, #tpu.memory_space<vmem>>, vector<1x16xf32>,
      %add3A_339 = arith.constant 32 : i32
      %add3A_340 = vector.broadcast %add3A_339 : i32 to vector<16xi32>
      %add3A_341 = arith.addi %iota3A, %add3A_340 : vector<16xi32>
      %eq3A_342 = arith.cmpi eq, %add3A_341, %select_n3A_291 : vector<16xi32>
      %select_n3A_343 = arith.select %eq3A_342, %div3A_307, %broadcast_in_dim3A_312 : vector<16xi1>, vector<16xf32>
      %eq3A_344 = arith.cmpi eq, %add3A_341, %select_n3A_302 : vector<16xi32>
      %select_n3A_345 = arith.select %eq3A_344, %sub3A_310, %broadcast_in_dim3A_312 : vector<16xi1>, vector<16xf32>
      %add3A_346 = arith.addf %select_n3A_343, %select_n3A_345 : vector<16xf32>
      %swap3A_347 = arith.index_cast %scan3A_9 : i32 to index
      %swap3A_348 = arith.constant 32 : index
      %swap3A_349 = tpu.vector_load %arg5[%swap3A_347, %swap3A_348] {strides = array<i32>} : memref<8x64xf32, #tpu.memory_space<vmem>>, vector<1x16xf32>,
      %swap3A_350 = vector.shape_cast %swap3A_349 : vector<1x16xf32> to vector<16xf32>
      %swap3A_351 = vector.shape_cast %add3A_346 : vector<16xf32> to vector<1x16xf32>
      tpu.vector_store %arg5[%swap3A_347, %swap3A_348], %swap3A_351 {strides = array<i32>} : memref<8x64xf32, #tpu.memory_space<vmem>>, vector<1x16xf32>,
      %add3A_352 = arith.constant 48 : i32
      %add3A_353 = vector.broadcast %add3A_352 : i32 to vector<16xi32>
      %add3A_354 = arith.addi %iota3A, %add3A_353 : vector<16xi32>
      %eq3A_355 = arith.cmpi eq, %add3A_354, %select_n3A_291 : vector<16xi32>
      %select_n3A_356 = arith.select %eq3A_355, %div3A_307, %broadcast_in_dim3A_312 : vector<16xi1>, vector<16xf32>
      %eq3A_357 = arith.cmpi eq, %add3A_354, %select_n3A_302 : vector<16xi32>
      %select_n3A_358 = arith.select %eq3A_357, %sub3A_310, %broadcast_in_dim3A_312 : vector<16xi1>, vector<16xf32>
      %add3A_359 = arith.addf %select_n3A_356, %select_n3A_358 : vector<16xf32>
      %swap3A_360 = arith.index_cast %scan3A_9 : i32 to index
      %swap3A_361 = arith.constant 48 : index
      %swap3A_362 = tpu.vector_load %arg5[%swap3A_360, %swap3A_361] {strides = array<i32>} : memref<8x64xf32, #tpu.memory_space<vmem>>, vector<1x16xf32>,
      %swap3A_363 = vector.shape_cast %swap3A_362 : vector<1x16xf32> to vector<16xf32>
      %swap3A_364 = vector.shape_cast %add3A_359 : vector<16xf32> to vector<1x16xf32>
      tpu.vector_store %arg5[%swap3A_360, %swap3A_361], %swap3A_364 {strides = array<i32>} : memref<8x64xf32, #tpu.memory_space<vmem>>, vector<1x16xf32>,
      %scan3A_365 = arith.constant 0 : i32
      scf.yield %scan3A_365 : i32
    }
    %scan3A_8 = arith.constant 8 : i32
    "tpu.region"() ({
      %run_scoped3A = tpu.sem_alloc : memref<!tpu.dma_semaphore, #tpu.memory_space<semaphore_mem>>
      %dma_start3A = arith.constant 0 : i32
      %dma_start3A_9 = tpu.memref_slice %arg3[%mul3A_2, %dma_start3A] : memref<128x64xf32, #tpu.memory_space<hbm>> -> memref<8x64xf32, #tpu.memory_space<hbm>>
      %dma_start3A_10 = arith.constant 0 : i32
      %dma_start3A_11 = tpu.memref_slice %arg3[%mul3A_2, %dma_start3A_10] : memref<128x64xf32, #tpu.memory_space<hbm>> -> memref<8x64xf32, #tpu.memory_space<hbm>>
      tpu.enqueue_dma source(%arg5 : memref<8x64xf32, #tpu.memory_space<vmem>>) target(%dma_start3A_11 : memref<8x64xf32, #tpu.memory_space<hbm>>) target_semaphore(%run_scoped3A : memref<!tpu.dma_semaphore, #tpu.memory_space<semaphore_mem>>)
      %dma_wait3A = arith.constant 0 : i32
      %dma_wait3A_12 = tpu.memref_slice %arg3[%mul3A_2, %dma_wait3A] : memref<128x64xf32, #tpu.memory_space<hbm>> -> memref<8x64xf32, #tpu.memory_space<hbm>>
      %dma_wait3A_13 = arith.constant 0 : i32
      %dma_wait3A_14 = tpu.memref_slice %arg3[%mul3A_2, %dma_wait3A_13] : memref<128x64xf32, #tpu.memory_space<hbm>> -> memref<8x64xf32, #tpu.memory_space<hbm>>
      tpu.wait_dma2 semaphore(%run_scoped3A : memref<!tpu.dma_semaphore, #tpu.memory_space<semaphore_mem>>) src(%arg5 : memref<8x64xf32, #tpu.memory_space<vmem>>) dst(%dma_wait3A_14 : memref<8x64xf32, #tpu.memory_space<hbm>>)
      tpu.yield
    }) : () -> ()
    return
  }
}

module attributes {stable_mosaic.version = 14 : i64} {
  func.func @_gate_body(%arg0: memref<32x4x768xf32, #tpu.memory_space<vmem>>, %arg1: memref<768x64xf32, #tpu.memory_space<vmem>>, %arg2: memref<128x64xf32, #tpu.memory_space<vmem>>, %arg3: memref<128x768xbf16, #tpu.memory_space<vmem>>) attributes {dimension_semantics = [], scalar_prefetch = 0 : i64, scratch_operands = 0 : i64, tpu.core_type = #tpu.core_type<tc>} {
    %get3A = arith.constant 0 : index
    %get3A_0 = arith.constant 0 : index
    %get3A_1 = arith.constant 0 : index
    %get3A_2 = vector.load %arg0[%get3A, %get3A_0, %get3A_1] : memref<32x4x768xf32, #tpu.memory_space<vmem>>, vector<32x4x768xf32>
    %reshape3A = vector.shape_cast %get3A_2 : vector<32x4x768xf32> to vector<128x768xf32>
    %get3A_3 = arith.constant 0 : index
    %get3A_4 = arith.constant 0 : index
    %get3A_5 = vector.load %arg1[%get3A_3, %get3A_4] : memref<768x64xf32, #tpu.memory_space<vmem>>, vector<768x64xf32>
    %dot_general3A = arith.constant dense<0.000000e+00> : vector<128x64xf32>
    %dot_general3A_6 = tpu.matmul %reshape3A, %get3A_5, %dot_general3A {dimension_numbers = #tpu.dot_dimension_numbers<[1], [0], [0], [1], [0, 0, 1, 1], [], []>, transpose_lhs_hint = false} : vector<128x768xf32>, vector<768x64xf32>, vector<128x64xf32> -> vector<128x64xf32>
    %swap3A = arith.constant 0 : index
    %swap3A_7 = arith.constant 0 : index
    %swap3A_8 = vector.load %arg2[%swap3A, %swap3A_7] : memref<128x64xf32, #tpu.memory_space<vmem>>, vector<128x64xf32>
    tpu.vector_store %arg2[%swap3A, %swap3A_7], %dot_general3A_6 {strides = array<i32>} : memref<128x64xf32, #tpu.memory_space<vmem>>, vector<128x64xf32>,
    %convert_element_type3A = arith.truncf %reshape3A : vector<128x768xf32> to vector<128x768xbf16>
    %swap3A_9 = arith.constant 0 : index
    %swap3A_10 = arith.constant 0 : index
    %swap3A_11 = vector.load %arg3[%swap3A_9, %swap3A_10] : memref<128x768xbf16, #tpu.memory_space<vmem>>, vector<128x768xbf16>
    tpu.vector_store %arg3[%swap3A_9, %swap3A_10], %convert_element_type3A {strides = array<i32>} : memref<128x768xbf16, #tpu.memory_space<vmem>>, vector<128x768xbf16>,
    return
  }
}

module attributes {stable_mosaic.version = 14 : i64} {
  func.func @_ffn_body(%arg0: i32, %arg1: memref<128x64xf32, #tpu.memory_space<vmem>>, %arg2: memref<128x768xbf16, #tpu.memory_space<vmem>>, %arg3: memref<1x768x1024xf32, #tpu.memory_space<vmem>>, %arg4: memref<1x1024x768xf32, #tpu.memory_space<vmem>>, %arg5: memref<1x768x1024xf32, #tpu.memory_space<vmem>>, %arg6: memref<32x4x768xf32, #tpu.memory_space<vmem>>, %arg7: memref<128x768xf32, #tpu.memory_space<vmem>>) attributes {dimension_semantics = [#tpu.dimension_semantics<arbitrary>], iteration_bounds = array<i64: 64>, scalar_prefetch = 0 : i64, scratch_operands = 1 : i64, tpu.core_type = #tpu.core_type<tc>, window_params = [{pipeline_mode = #tpu.pipeline_mode<synchronous>, transform_indices = @transform_0, window_bounds = array<i64: 128, 64>}, {pipeline_mode = #tpu.pipeline_mode<synchronous>, transform_indices = @transform_1, window_bounds = array<i64: 128, 768>}, {transform_indices = @transform_2, window_bounds = array<i64: 1, 768, 1024>}, {transform_indices = @transform_3, window_bounds = array<i64: 1, 1024, 768>}, {transform_indices = @transform_4, window_bounds = array<i64: 1, 768, 1024>}, {pipeline_mode = #tpu.pipeline_mode<synchronous>, transform_indices = @transform_5, window_bounds = array<i64: 32, 4, 768>}]} {
    %eq3A = arith.constant 0 : i32
    %eq3A_0 = arith.cmpi eq, %arg0, %eq3A : i32
    %convert_element_type3A = arith.extui %eq3A_0 : i1 to i32
    %cond3A = arith.constant 0 : i32
    %cond3A_1 = arith.cmpi ne, %convert_element_type3A, %cond3A : i32
    scf.if %cond3A_1 {
      %broadcast_in_dim3A_53 = arith.constant 0.000000e+00 : f32
      %broadcast_in_dim3A_54 = vector.broadcast %broadcast_in_dim3A_53 : f32 to vector<128x768xf32>
      %swap3A_55 = arith.constant 0 : index
      %swap3A_56 = arith.constant 0 : index
      %swap3A_57 = vector.load %arg7[%swap3A_55, %swap3A_56] : memref<128x768xf32, #tpu.memory_space<vmem>>, vector<128x768xf32>
      tpu.vector_store %arg7[%swap3A_55, %swap3A_56], %broadcast_in_dim3A_54 {strides = array<i32>} : memref<128x768xf32, #tpu.memory_space<vmem>>, vector<128x768xf32>,
    } else {
    }
    %get3A = arith.constant 0 : index
    %get3A_2 = arith.constant 0 : index
    %get3A_3 = vector.load %arg2[%get3A, %get3A_2] : memref<128x768xbf16, #tpu.memory_space<vmem>>, vector<128x768xbf16>
    %get3A_4 = arith.constant 0 : index
    %get3A_5 = arith.constant 0 : index
    %get3A_6 = arith.constant 0 : index
    %get3A_7 = vector.load %arg3[%get3A_4, %get3A_5, %get3A_6] : memref<1x768x1024xf32, #tpu.memory_space<vmem>>, vector<1x768x1024xf32>
    %get3A_8 = vector.shape_cast %get3A_7 : vector<1x768x1024xf32> to vector<768x1024xf32>
    %convert_element_type3A_9 = arith.truncf %get3A_8 : vector<768x1024xf32> to vector<768x1024xbf16>
    %get3A_10 = arith.constant 0 : index
    %get3A_11 = arith.constant 0 : index
    %get3A_12 = arith.constant 0 : index
    %get3A_13 = vector.load %arg5[%get3A_10, %get3A_11, %get3A_12] : memref<1x768x1024xf32, #tpu.memory_space<vmem>>, vector<1x768x1024xf32>
    %get3A_14 = vector.shape_cast %get3A_13 : vector<1x768x1024xf32> to vector<768x1024xf32>
    %convert_element_type3A_15 = arith.truncf %get3A_14 : vector<768x1024xf32> to vector<768x1024xbf16>
    %get3A_16 = arith.constant 0 : index
    %get3A_17 = arith.constant 0 : index
    %get3A_18 = arith.constant 0 : index
    %get3A_19 = vector.load %arg4[%get3A_16, %get3A_17, %get3A_18] : memref<1x1024x768xf32, #tpu.memory_space<vmem>>, vector<1x1024x768xf32>
    %get3A_20 = vector.shape_cast %get3A_19 : vector<1x1024x768xf32> to vector<1024x768xf32>
    %convert_element_type3A_21 = arith.truncf %get3A_20 : vector<1024x768xf32> to vector<1024x768xbf16>
    %dot_general3A = arith.constant dense<0.000000e+00> : vector<128x1024xf32>
    %dot_general3A_22 = tpu.matmul %get3A_3, %convert_element_type3A_9, %dot_general3A {dimension_numbers = #tpu.dot_dimension_numbers<[1], [0], [0], [1], [0, 0, 1, 1], [], []>, transpose_lhs_hint = false} : vector<128x768xbf16>, vector<768x1024xbf16>, vector<128x1024xf32> -> vector<128x1024xf32>
    %dot_general3A_23 = arith.constant dense<0.000000e+00> : vector<128x1024xf32>
    %dot_general3A_24 = tpu.matmul %get3A_3, %convert_element_type3A_15, %dot_general3A_23 {dimension_numbers = #tpu.dot_dimension_numbers<[1], [0], [0], [1], [0, 0, 1, 1], [], []>, transpose_lhs_hint = false} : vector<128x768xbf16>, vector<768x1024xbf16>, vector<128x1024xf32> -> vector<128x1024xf32>
    %logistic3A = arith.negf %dot_general3A_22 : vector<128x1024xf32>
    %logistic3A_25 = math.exp %logistic3A : vector<128x1024xf32>
    %logistic3A_26 = arith.constant 1.000000e+00 : f32
    %logistic3A_27 = vector.broadcast %logistic3A_26 : f32 to vector<128x1024xf32>
    %logistic3A_28 = arith.addf %logistic3A_27, %logistic3A_25 : vector<128x1024xf32>
    %logistic3A_29 = arith.divf %logistic3A_27, %logistic3A_28 : vector<128x1024xf32>
    %mul3A = arith.mulf %dot_general3A_22, %logistic3A_29 : vector<128x1024xf32>
    %mul3A_30 = arith.mulf %mul3A, %dot_general3A_24 : vector<128x1024xf32>
    %convert_element_type3A_31 = arith.truncf %mul3A_30 : vector<128x1024xf32> to vector<128x1024xbf16>
    %dot_general3A_32 = arith.constant dense<0.000000e+00> : vector<128x768xf32>
    %dot_general3A_33 = tpu.matmul %convert_element_type3A_31, %convert_element_type3A_21, %dot_general3A_32 {dimension_numbers = #tpu.dot_dimension_numbers<[1], [0], [0], [1], [0, 0, 1, 1], [], []>, transpose_lhs_hint = false} : vector<128x1024xbf16>, vector<1024x768xbf16>, vector<128x768xf32> -> vector<128x768xf32>
    %iota3A = tpu.iota {dimensions = array<i32: 1>} : vector<128x64xi32>
    %eq3A_34 = vector.broadcast %arg0 : i32 to vector<128x64xi32>
    %eq3A_35 = arith.cmpi eq, %iota3A, %eq3A_34 : vector<128x64xi32>
    %get3A_36 = arith.constant 0 : index
    %get3A_37 = arith.constant 0 : index
    %get3A_38 = vector.load %arg1[%get3A_36, %get3A_37] : memref<128x64xf32, #tpu.memory_space<vmem>>, vector<128x64xf32>
    %jit3A = arith.constant 0.000000e+00 : f32
    %broadcast_in_dim3A = vector.broadcast %jit3A : f32 to vector<128x64xf32>
    %select_n3A = arith.select %eq3A_35, %get3A_38, %broadcast_in_dim3A : vector<128x64xi1>, vector<128x64xf32>
    %reduce_sum3A = arith.constant dense<0.000000e+00> : vector<128xf32>
    %reduce_sum3A_39 = vector.multi_reduction <add>, %select_n3A, %reduce_sum3A [1] : vector<128x64xf32> to vector<128xf32>
    %broadcast_in_dim3A_40 = vector.shape_cast %reduce_sum3A_39 : vector<128xf32> to vector<128x1xf32>
    %get3A_41 = arith.constant 0 : index
    %get3A_42 = arith.constant 0 : index
    %get3A_43 = vector.load %arg7[%get3A_41, %get3A_42] : memref<128x768xf32, #tpu.memory_space<vmem>>, vector<128x768xf32>
    %mul3A_44 = vector.broadcast %broadcast_in_dim3A_40 : vector<128x1xf32> to vector<128x768xf32>
    %mul3A_45 = arith.mulf %dot_general3A_33, %mul3A_44 : vector<128x768xf32>
    %add3A = arith.addf %get3A_43, %mul3A_45 : vector<128x768xf32>
    %swap3A = arith.constant 0 : index
    %swap3A_46 = arith.constant 0 : index
    %swap3A_47 = vector.load %arg7[%swap3A, %swap3A_46] : memref<128x768xf32, #tpu.memory_space<vmem>>, vector<128x768xf32>
    tpu.vector_store %arg7[%swap3A, %swap3A_46], %add3A {strides = array<i32>} : memref<128x768xf32, #tpu.memory_space<vmem>>, vector<128x768xf32>,
    %eq3A_48 = arith.constant 63 : i32
    %eq3A_49 = arith.cmpi eq, %arg0, %eq3A_48 : i32
    %convert_element_type3A_50 = arith.extui %eq3A_49 : i1 to i32
    %cond3A_51 = arith.constant 0 : i32
    %cond3A_52 = arith.cmpi ne, %convert_element_type3A_50, %cond3A_51 : i32
    scf.if %cond3A_52 {
      %get3A_53 = arith.constant 0 : index
      %get3A_54 = arith.constant 0 : index
      %get3A_55 = vector.load %arg7[%get3A_53, %get3A_54] : memref<128x768xf32, #tpu.memory_space<vmem>>, vector<128x768xf32>
      %reshape3A = vector.shape_cast %get3A_55 : vector<128x768xf32> to vector<32x4x768xf32>
      %swap3A_56 = arith.constant 0 : index
      %swap3A_57 = arith.constant 0 : index
      %swap3A_58 = arith.constant 0 : index
      %swap3A_59 = vector.load %arg6[%swap3A_56, %swap3A_57, %swap3A_58] : memref<32x4x768xf32, #tpu.memory_space<vmem>>, vector<32x4x768xf32>
      tpu.vector_store %arg6[%swap3A_56, %swap3A_57, %swap3A_58], %reshape3A {strides = array<i32>} : memref<32x4x768xf32, #tpu.memory_space<vmem>>, vector<32x4x768xf32>,
    } else {
    }
    return
  }
  func.func @transform_0(%arg0: i32) -> (i32, i32) {
    %c0_i32 = arith.constant 0 : i32
    %c0_i32_0 = arith.constant 0 : i32
    %c0_i32_1 = arith.constant 0 : i32
    return %c0_i32, %c0_i32_0 : i32, i32
  }
  func.func @transform_1(%arg0: i32) -> (i32, i32) {
    %c0_i32 = arith.constant 0 : i32
    %c0_i32_0 = arith.constant 0 : i32
    %c0_i32_1 = arith.constant 0 : i32
    return %c0_i32, %c0_i32_0 : i32, i32
  }
  func.func @transform_2(%arg0: i32) -> (i32, i32, i32) {
    %c0_i32 = arith.constant 0 : i32
    %c0_i32_0 = arith.constant 0 : i32
    %c0_i32_1 = arith.constant 0 : i32
    return %arg0, %c0_i32, %c0_i32_0 : i32, i32, i32
  }
  func.func @transform_3(%arg0: i32) -> (i32, i32, i32) {
    %c0_i32 = arith.constant 0 : i32
    %c0_i32_0 = arith.constant 0 : i32
    %c0_i32_1 = arith.constant 0 : i32
    return %arg0, %c0_i32, %c0_i32_0 : i32, i32, i32
  }
  func.func @transform_4(%arg0: i32) -> (i32, i32, i32) {
    %c0_i32 = arith.constant 0 : i32
    %c0_i32_0 = arith.constant 0 : i32
    %c0_i32_1 = arith.constant 0 : i32
    return %arg0, %c0_i32, %c0_i32_0 : i32, i32, i32
  }
  func.func @transform_5(%arg0: i32) -> (i32, i32, i32) {
    %c0_i32 = arith.constant 0 : i32
    %c0_i32_0 = arith.constant 0 : i32
    %c0_i32_1 = arith.constant 0 : i32
    %c0_i32_2 = arith.constant 0 : i32
    return %c0_i32, %c0_i32_0, %c0_i32_1 : i32, i32, i32
  }
}

</mosaic_0001>

<sc_bundles>
// kernel: kernel.5.cloned.1.call-start
scs
__scs_entry_jumppad:
0x0: {  	(pc) =	sbr.rel $0x88, $3  }
0x1: {  	(tag) =	ssettag $0x0;
	lr =	simm.s32 $0x1  }
0x2: {  	[smem:$0x3F9C] =	sst lr;
	_ =	strace $0xD0000000  }
0x3: {  	_ = 	snop  }
0x4: {  	_ = 	snop  }
0x5: {  	_ = 	snop  }
0x6: {  	_ = 	snop  }
0x7: {  	_ = 	snop  }
__scs_overlays_trampoline_lowered:
0x8: {  	[smem:$0x3FAB] =	sst s0  }
0x9: {  	[smem:$0x3FAC] =	sst s1  }
0xa: {  	[smem:$0x3FAD] =	sst s2  }
0xb: {  	[smem:$0x3FAE] =	sst s3  }
0xc: {  	[smem:$0x3FAF] =	sst s4  }
0xd: {  	[smem:$0x3FB0] =	sst s5  }
0xe: {  	[smem:$0x3FB1] =	sst s6  }
0xf: {  	[smem:$0x3FB2] =	sst s7  }
0x10: {  	[smem:$0x3FB3] =	sst s8  }
0x11: {  	[smem:$0x3FB4] =	sst s9;
	s0 =	simm.s32 @!p0 $0x0  }
0x12: {  	s1 =	sld [smem:$0x3F9A];
	s0 =	simm.s32 @p0 $0x1  }
0x13: {  	[smem:$0x3FB5] =	sst s0;
	s0 =	simm.s32 @!p1 $0x0  }
0x14: {  	s2 =	sld [smem:$0x3F99];
	s0 =	simm.s32 @p1 $0x1  }
0x15: {  	[smem:$0x3FB6] =	sst s0;
	s0 =	simm.s32 @!p2 $0x0  }
0x16: {  	s3 =	sld [smem:$0x3FDB];
	s0 =	simm.s32 @p2 $0x1  }
0x17: {  	s4 =	simm.s32 $0x1BF5;
	[smem:$0x3FB8] =	sst s0  }
0x18: {  	s0 =	sld [smem:$0x3F9B];
	_ =	swait.ge [sflag:s4], $0x0  }
0x19: {  	s7 =	sld [smem:$0x3F9C]  }
0x1a: {  	s8 =	sadd.s32 $0xFFFFE003, lr  }
0x1b: {  	s9 =	sadd.s32 $0xFFFFFEF7, lr;
	s5 =	simm.s32 $0xFFFFFFFF;
	p2 =	slt.u32 s8, $0xFFFFF086  }
0x1c: {  	p1 =	slt.u32 s9, $0xF7A;
	s5 =	simm.s32 @!p2 $0x0  }
0x1d: {  	s5 =	simm.s32 @p1 $0x1;
	p0 =	seq.s32 s7, s2  }
0x1e: {  	s7 =	smul.u32 @!p0 $0xF7A, s2;
	p2 =	seq.s32 @!p0 s5, $0x0  }
0x1f: {  	s9 =	smul.u32 $0xF7A, s1;
	s8 =	simm.s32 @!p0 $0x1BF5;
	p2 =	por !p2, p0  }
0x20: {  	[sflag:s8] =	ssyncset.s32 @!p0 $0xFFFFF086;
	s6 =	sadd.s32 @!p0 s3, s7;
	s7 =	simm.s32 @!p0 $0x108  }
0x21: {  	s3 =	sadd.s32 s3, s9;
	s6 =	sadd.s32 @!p0 $0x88, s6;
	s7 =	simm.s32 @p2 $0x1082  }
0x22: {  	[simem:s7], [sflag:s8] =	dma.local @!p0 [hbm:s6], $0xF7A  }
0x23: {  	s9 =	sor.u32 $0xD0000000, s2;
	s6 =	simm.s32 $0x108;
	_ =	swait.ge @!p0 [sflag:s8], $0x0  }
0x24: {  	s3 =	sadd.s32 $0x88, s3;
	s6 =	simm.s32 @!p1 $0x1082;
	[sflag:s4] =	ssyncset.s32 $0xFFFFF086  }
0x25: {  	[simem:s6], [sflag:s4] =	dma.local [hbm:s3], $0xF7A  }
0x26: {  	[smem:$0x3F9C] =	sst s1;
	(tag) =	ssettag s2;
	_ =	strace s9  }
0x27: {  	s1 =	sld [smem:$0x3FAC]  }
0x28: {  	s2 =	sld [smem:$0x3FAD]  }
0x29: {  	s4 =	sld [smem:$0x3FAF]  }
0x2a: {  	p0 =	seq.s32 s5, $0x0;
	s5 =	sld [smem:$0x3FB0]  }
0x2b: {  	s6 =	sld [smem:$0x3FB1]  }
0x2c: {  	s7 =	sld [smem:$0x3FB2]  }
0x2d: {  	s3 =	simm.s32 $0x108;
	s8 =	sld [smem:$0x3FB3]  }
0x2e: {  	s3 =	simm.s32 @!p0 $0x1082;
	s9 =	sld [smem:$0x3FB4]  }
0x2f: {  	lr =	sadd.s32 s0, s3;
	s0 =	sld [smem:$0x3FAB]  }
0x30: {  	s3 =	sld [smem:$0x3FAE]  }
0x31: {  	[smem:$0x3FB7] =	sst s10  }
0x32: {  	s10 =	sld [smem:$0x3FB5];
	_ =	sdelay $0x3  }
0x33: {  	p0 =	seq.s32 s10, $0x1;
	s10 =	sld [smem:$0x3FB7];
	_ =	sdelay $0x3  }
0x34: {  	[smem:$0x3FB7] =	sst s10  }
0x35: {  	s10 =	sld [smem:$0x3FB6];
	_ =	sdelay $0x3  }
0x36: {  	p1 =	seq.s32 s10, $0x1;
	s10 =	sld [smem:$0x3FB7];
	_ =	sdelay $0x3  }
0x37: {  	[smem:$0x3FB7] =	sst s10  }
0x38: {  	s10 =	sld [smem:$0x3FB8]  }
0x39: {  	_ = 	snop;
	(pc) =	sbr.ind lr, $3  }
0x3a: {  	_ = 	snop  }
0x3b: {  	_ = 	snop  }
0x3c: {  	p2 =	seq.s32 s10, $0x1;
	s10 =	sld [smem:$0x3FB7]  }
0x3d: {  	_ =	shalt  }
0x3e: {  	_ =	shalt  }
0x3f: {  	_ =	shalt  }
0x40: {  	_ =	shalt  }
0x41: {  	_ =	shalt  }
0x42: {  	_ =	shalt  }
0x43: {  	_ =	shalt  }
0x44: {  	_ =	shalt  }
0x45: {  	_ =	shalt  }
0x46: {  	_ =	shalt  }
0x47: {  	_ =	shalt  }
0x48: {  	_ =	shalt  }
0x49: {  	_ =	shalt  }
0x4a: {  	_ =	shalt  }
0x4b: {  	_ =	shalt  }
0x4c: {  	_ =	shalt  }
0x4d: {  	_ =	shalt  }
0x4e: {  	_ =	shalt  }
0x4f: {  	_ =	shalt  }
0x50: {  	_ =	shalt  }
0x51: {  	_ =	shalt  }
0x52: {  	_ =	shalt  }
0x53: {  	_ =	shalt  }
0x54: {  	_ =	shalt  }
0x55: {  	_ =	shalt  }
0x56: {  	_ =	shalt  }
0x57: {  	_ =	shalt  }
0x58: {  	_ =	shalt  }
0x59: {  	_ =	shalt  }
0x5a: {  	_ =	shalt  }
0x5b: {  	_ =	shalt  }
0x5c: {  	_ =	shalt  }
0x5d: {  	_ =	shalt  }
0x5e: {  	_ =	shalt  }
0x5f: {  	_ =	shalt  }
0x60: {  	_ =	shalt  }
0x61: {  	_ =	shalt  }
0x62: {  	_ =	shalt  }
0x63: {  	_ =	shalt  }
0x64: {  	_ =	shalt  }
0x65: {  	_ =	shalt  }
0x66: {  	_ =	shalt  }
0x67: {  	_ =	shalt  }
0x68: {  	_ =	shalt  }
0x69: {  	_ =	shalt  }
0x6a: {  	_ =	shalt  }
0x6b: {  	_ =	shalt  }
0x6c: {  	_ =	shalt  }
0x6d: {  	_ =	shalt  }
0x6e: {  	_ =	shalt  }
0x6f: {  	_ =	shalt  }
0x70: {  	_ =	shalt  }
0x71: {  	_ =	shalt  }
0x72: {  	_ =	shalt  }
0x73: {  	_ =	shalt  }
0x74: {  	_ =	shalt  }
0x75: {  	_ =	shalt  }
0x76: {  	_ =	shalt  }
0x77: {  	_ =	shalt  }
0x78: {  	_ =	shalt  }
0x79: {  	_ =	shalt  }
0x7a: {  	_ =	shalt  }
0x7b: {  	_ =	shalt  }
0x7c: {  	_ =	shalt  }
0x7d: {  	_ =	shalt  }
0x7e: {  	_ =	shalt  }
0x7f: {  	_ =	shalt  }
0x80: {  	_ =	shalt  }
0x81: {  	_ =	shalt  }
0x82: {  	_ =	shalt  }
0x83: {  	_ =	shalt  }
0x84: {  	_ =	shalt  }
0x85: {  	_ =	shalt  }
0x86: {  	_ =	shalt  }
0x87: {  	_ =	shalt  }
.Lfunc_end0:
.L_simem_size_0:
called_computation_lowered:
.L_overlay_start_0:
0x88: {  	s0 =	sld [smem:$0x3FD9]  }
0x89: {  	s1 =	sld [smem:$0x3FFE];
	_ =	sdelay $0x3  }
0x8a: {  	s0 =	sadd.s32 s1, s0  }
0x8b: {  	[smem:$0x3FC3] =	sst s0  }
0x8c: {  	_ = 	snop  }
0x8d: {  	s0 =	sld [smem:$0x3FD0];
	(tm) =	ssettm $0x1  }
0x8e: {  	s16 =	sld [smem:$0x3FFB];
	_ =	sdelay $0x3  }
0x8f: {  	_ =	strace s16  }
0x90: {  	s1 =	sld [smem:$0x3FFC];
	_ =	sdelay $0x3  }
0x91: {  	_ =	strace s1  }
0x92: {  	s1 =	sld [smem:$0x3FFD];
	_ =	sdelay $0x3  }
0x93: {  	_ =	strace s1  }
0x94: {  	_ =	strace $0x8FFFFFFF  }
0x95: {  	s17 =	sld [smem:$0x3FDB];
	_ =	sdelay $0x1  }
0x96: {  	s2 =	simm.s32 $_scs_section_size  }
0x97: {  	s3 =	simm.s32 $_size__tile_overlayer_lowered;
	s4 =	simm.s32 $_tile_overlayer_lowered  }
0x98: {  	s20 =	simm.s32 $0x1BFF;
	s19 =	sshll.u32 s4, $0x1;
	s1 =	sadd.s32 s2, s17  }
0x99: {  	s5 =	simm.s32 $0x0;
	s18 =	sshll.u32 s3, $0x1;
	s3 =	sadd.s32 s19, s1  }
0x9a: {  	[timem:s5], [sflag:s20] =	dma.local [hbm:s3], s18  }
0x9b: {  	_ =	swait.ge [sflag:s20], s18  }
0x9c: {  	s2 =	ssub.s32 $0x0, s18;
	[sflag:s20] =	ssyncset.done $0x0  }
0x9d: {  	[sflag:s20] =	ssyncadd.s32 s2;
	_ =	sdelay $0x1  }
0x9e: {  	s21 =	simm.s32 $0x1B8B  }
0x9f: {  	_ =	swait.ge [sflag:s21], $0x1  }
0xa0: {  	[sflag:s21] =	ssyncset.done $0x0  }
0xa1: {  	s23 =	simm.s32 $0x1B8E;
	s22 =	sld [smem:$0x3FFE];
	[sflag:s21] =	ssyncadd.s32 $0xFFFFFFFF  }
0xa2: {  	s24 =	simm.s32 $execute0_lowered;
	[smem:$0x3FD2] =	sst s23  }
0xa3: {  	s3 =	sshll.u32 s24, $0x1;
	_ =	strace $0x80000046;
	[dreg:$0x1] =	wrdreg $0xFFFFFFFF  }
0xa4: {  	s25 =	simm.s32 $_size_execute0_lowered;
	s1 =	sadd.s32 s1, s3;
	[dreg:$0x0] =	wrdreg $0x0  }
0xa5: {  	s3 =	sshll.u32 s25, $0x1;
	[dreg:$0x2] =	wrdreg s1  }
0xa6: {  	[dreg:$0x3] =	wrdreg s3  }
0xa7: {  	[dreg:$0x4] =	wrdreg $0xC0  }
0xa8: {  	_ =	task [dreg:s5], $0x5FFFF  }
0xa9: {  	[dreg:$0x1] =	wrdreg $0xFFFFFFFF  }
0xaa: {  	[dreg:$0x0] =	wrdreg $0x60  }
0xab: {  	[dreg:$0x2] =	wrdreg s0  }
0xac: {  	[dreg:$0x3] =	wrdreg s22  }
0xad: {  	[dreg:$0x4] =	wrdreg $0x9  }
0xae: {  	_ =	task.clear_ibuf [dreg:s5], $0x5FFFF;
	_ =	strace $0x90000046  }
0xaf: {  	s26 =	simm.s32 $0x9;
	_ =	strace $0x80000048  }
0xb0: {  	_ =	swait.ge [sflag:s26], $0x1  }
0xb1: {  	[sflag:s26] =	ssyncadd.s32 $0xFFFFFFFF  }
0xb2: {  	_ =	strace $0x90000048  }
0xb3: {  	_ =	sfence  }
0xb4: {  	s28 =	sld [smem:$0x0];
	_ =	sdelay $0x1  }
0xb5: {  	s29 =	srdreg.scid  }
0xb6: {  	s30 =	sshll.u32 s29, $0xD;
	s31 =	sshrl.u32 s29, $0x2  }
0xb7: {  	s2 =	sand.u32 $0x4000, s30;
	s1 =	sand.u32 $0x1, s29;
	s0 =	sadd.s32 s31, s28  }
0xb8: {  	s1 =	sor.u32 s2, s1;
	s0 =	sshll.u32 s0, $0x11  }
0xb9: {  	s0 =	sor.u32 s0, s1  }
0xba: {  	s0 =	sadd.s32 $0x8F2B, s0  }
0xbb: {  	[sflag:s0] =	ssyncadd.remote.s32 $0x1  }
0xbc: {  	_ =	sfence.sel $0xFFFF  }
0xbd: {  	[dreg:$0x0] =	wrdreg $0xFFFFFFFF;
	(pc) =	sbr.abs _section_cstart, $3  }
0xbe: {  	[dreg:$0x1] =	wrdreg $0xFFFFFFFF  }
0xbf: {  	_ =	task.clear_ibuf [dreg:s5], $0x2FFFF;
	_ =	strace $0x9FFFFFFF  }
0xc0: {  	(tm) =	ssettm $0x7FFFFFFF  }
0xc1: {  	_ =	shalt  }
tec
execute0_lowered:
.L_overlay_start_1:
0x0: {  	(tag) =	ssettag $0x1  }
0x1: {  	s3 =	rddreg [dreg:$0x0]  }
0x2: {  	s4 =	rddreg [dreg:$0x1]  }
0x3: {  	s0 =	rddreg [dreg:$0x2];
	s5 =	simm.s32 $0x0;
	s1 =	stileid.u32  }
0x4: {  	[smem:$0x7FF] =	sst s5;
	s2 =	sshll.u32 s1, $0x7  }
0x5: {  	s31 =	simm.s32 $0x1;
	_ =	strace $0x80000047;
	s3 =	sadd.s32 s3, s2  }
0x6: {  	[tilespmem:s5], [sflag:$0x1] =	stream.linear.gather [hbm4b:s3+s5], $0x400, $0x38;
	[tilespmem:$0xA00] =	vst v63  }
0x7: {  	_ =	swait.ge [sflag:s31], $0x400  }
0x8: {  	[sflag:s31] =	ssyncset.done $0x0  }
0x9: {  	s3 =	simm.s32 $0x0;
	[sflag:s31] =	ssyncadd.s32 $0xFFFFFC00  }
0xa: {  	v2 =	vld [tilespmem:s3+$0x10]  }
0xb: {  	v3 =	vld [tilespmem:s3+$0x0];
	_ =	sdelay $0x1  }
0xc: {  	v4 =	vld [tilespmem:s3+$0x20];
	_ =	sdelay $0x1  }
0xd: {  	v5 =	vld [tilespmem:s3+$0x30]  }
0xe: {  	vm0 =	vlt.f32 v2, $-Inf;
	vm1 =	vgt.f32 v2, $-Inf;
	vm2 =	vgt.f32 v2, v3  }
0xf: {  	v0 =	vlaneseq.u32;
	vm0 =	vmor vm1, vm0;
	v6 =	vsel vm2, v2, v3  }
0x10: {  	v1 =	vor.u32 $0x10, v0;
	v7 =	vnsel vm0, $0xFF800000, v2;
	vm13 =	vgt.f32 v4, v6  }
0x11: {  	v9 =	vsel vm2, v1, v0;
	v3 =	vsel vm2, v3, v7;
	v7 =	vsel vm13, v4, v6  }
0x12: {  	v2 =	vor.u32 $0x20, v0;
	vm14 =	vgt.f32 v4, v3;
	vm3 =	vgt.f32 v5, v7  }
0x13: {  	v8 =	vnsel vm0, $0x40, v1;
	v4 =	vsel vm14, v4, v3;
	v10 =	vsel vm3, v5, v7  }
0x14: {  	v3 =	vor.u32 $0x30, v0;
	v4 =	vsel vm13, v6, v4;
	v6 =	vsel vm13, v2, v9;
	[tilespmem:$0x800] =	vst v10  }
0x15: {  	v8 =	vsel vm2, v0, v8;
	[tilespmem:$0x810] =	vst v10;
	vm15 =	vgt.f32 v5, v4;
	v11 =	vsel vm3, v3, v6  }
0x16: {  	v8 =	vsel vm14, v2, v8;
	v4 =	vsel vm15, v5, v4;
	[tilespmem:$0x910] =	vst v11  }
0x17: {  	v5 =	vsel vm13, v9, v8;
	[tilespmem:$0x900] =	vst v11;
	v4 =	vsel vm3, v7, v4;
	v7 =	vld [tilespmem:$0x808]  }
0x18: {  	v5 =	vsel vm15, v3, v5;
	v8 =	vld [tilespmem:$0x908];
	[tilespmem:$0x880] =	vst v4  }
0x19: {  	v5 =	vsel vm3, v6, v5;
	[tilespmem:$0x890] =	vst v4  }
0x1a: {  	[tilespmem:$0x980] =	vst v5  }
0x1b: {  	v6 =	vld [tilespmem:$0x888];
	[tilespmem:$0x990] =	vst v5  }
0x1c: {  	v51 =	vld [tilespmem:$0x988]  }
0x1d: {  	vm4 =	veq.f32 v10, v7;
	vm5 =	vlt.s32 v11, v8  }
0x1e: {  	vm6 =	vgt.f32 v10, v7;
	vm0 =	vmand vm4, vm5  }
0x1f: {  	vm0 =	vmor vm6, vm0  }
0x20: {  	v12 =	vsel vm0, v11, v8;
	v13 =	vsel vm0, v7, v10  }
0x21: {  	v8 =	vsel vm0, v8, v11;
	v4 =	vsel vm0, v4, v6;
	v5 =	vsel vm0, v5, v51  }
0x22: {  	v6 =	vsel vm0, v10, v7;
	[tilespmem:$0x910] =	vst v12;
	vm7 =	veq.f32 v13, v4;
	vm8 =	vlt.s32 v8, v5  }
0x23: {  	vm9 =	vgt.f32 v13, v4;
	[tilespmem:$0x810] =	vst v6;
	vm0 =	vmand vm7, vm8  }
0x24: {  	[tilespmem:$0x900] =	vst v12;
	vm0 =	vmor vm9, vm0  }
0x25: {  	[tilespmem:$0x800] =	vst v6;
	v7 =	vld [tilespmem:$0x904];
	v4 =	vsel vm0, v13, v4  }
0x26: {  	v52 =	vld [tilespmem:$0x804];
	[tilespmem:$0x880] =	vst v4  }
0x27: {  	v5 =	vsel vm0, v8, v5;
	[tilespmem:$0x890] =	vst v4  }
0x28: {  	[tilespmem:$0x990] =	vst v5  }
0x29: {  	[tilespmem:$0x980] =	vst v5;
	v8 =	vld [tilespmem:$0x884]  }
0x2a: {  	v53 =	vld [tilespmem:$0x984]  }
0x2b: {  	vm10 =	vlt.s32 v12, v7;
	vm11 =	veq.f32 v6, v52  }
0x2c: {  	vm12 =	vgt.f32 v6, v52;
	vm0 =	vmand vm11, vm10  }
0x2d: {  	vm0 =	vmor vm12, vm0  }
0x2e: {  	v54 =	vsel vm0, v52, v6;
	v55 =	vsel vm0, v7, v12  }
0x2f: {  	v7 =	vsel vm0, v12, v7;
	v4 =	vsel vm0, v4, v8;
	v5 =	vsel vm0, v5, v53  }
0x30: {  	v6 =	vsel vm0, v6, v52;
	[tilespmem:$0x910] =	vst v7;
	vm13 =	veq.f32 v54, v4;
	vm14 =	vlt.s32 v55, v5  }
0x31: {  	[tilespmem:$0x810] =	vst v6;
	vm15 =	vgt.f32 v54, v4;
	vm0 =	vmand vm13, vm14  }
0x32: {  	[tilespmem:$0x800] =	vst v6;
	vm0 =	vmor vm15, vm0  }
0x33: {  	[tilespmem:$0x900] =	vst v7;
	v8 =	vld [tilespmem:$0x802];
	v4 =	vsel vm0, v54, v4  }
0x34: {  	v56 =	vld [tilespmem:$0x902];
	[tilespmem:$0x890] =	vst v4  }
0x35: {  	v5 =	vsel vm0, v55, v5;
	[tilespmem:$0x880] =	vst v4  }
0x36: {  	[tilespmem:$0x990] =	vst v5  }
0x37: {  	[tilespmem:$0x980] =	vst v5;
	v57 =	vld [tilespmem:$0x882]  }
0x38: {  	v58 =	vld [tilespmem:$0x982]  }
0x39: {  	vm4 =	veq.f32 v6, v8;
	vm5 =	vlt.s32 v7, v56  }
0x3a: {  	vm6 =	vgt.f32 v6, v8;
	vm0 =	vmand vm4, vm5  }
0x3b: {  	vm0 =	vmor vm6, vm0  }
0x3c: {  	v12 =	vsel vm0, v7, v56;
	v7 =	vsel vm0, v56, v7  }
0x3d: {  	v59 =	vsel vm0, v8, v6;
	v4 =	vsel vm0, v4, v57;
	v5 =	vsel vm0, v5, v58  }
0x3e: {  	v6 =	vsel vm0, v6, v8;
	[tilespmem:$0x900] =	vst v12;
	vm7 =	veq.f32 v59, v4;
	vm8 =	vlt.s32 v7, v5  }
0x3f: {  	[tilespmem:$0x810] =	vst v6;
	vm9 =	vgt.f32 v59, v4;
	vm0 =	vmand vm7, vm8  }
0x40: {  	[tilespmem:$0x910] =	vst v12;
	vm0 =	vmor vm9, vm0  }
0x41: {  	[tilespmem:$0x800] =	vst v6;
	v8 =	vld [tilespmem:$0x901];
	v4 =	vsel vm0, v59, v4  }
0x42: {  	v60 =	vld [tilespmem:$0x801];
	[tilespmem:$0x880] =	vst v4  }
0x43: {  	v5 =	vsel vm0, v7, v5;
	[tilespmem:$0x890] =	vst v4  }
0x44: {  	[tilespmem:$0x980] =	vst v5  }
0x45: {  	[tilespmem:$0x990] =	vst v5;
	v7 =	vld [tilespmem:$0x881]  }
0x46: {  	v61 =	vld [tilespmem:$0x981]  }
0x47: {  	vm10 =	vlt.s32 v12, v8;
	vm11 =	veq.f32 v6, v60  }
0x48: {  	vm12 =	vgt.f32 v6, v60;
	vm0 =	vmand vm11, vm10  }
0x49: {  	vm0 =	vmor vm12, vm0  }
0x4a: {  	v62 =	vsel vm0, v60, v6  }
0x4b: {  	v63 =	vsel vm0, v8, v12;
	v4 =	vsel vm0, v4, v7;
	v5 =	vsel vm0, v5, v61  }
0x4c: {  	vm13 =	veq.f32 v62, v4;
	vm14 =	vlt.s32 v63, v5  }
0x4d: {  	vm15 =	vgt.f32 v62, v4;
	vm1 =	vmand vm13, vm14  }
0x4e: {  	vm1 =	vmor vm15, vm1  }
0x4f: {  	v6 =	vsel vm0, v6, v60;
	v4 =	vsel vm1, v62, v4  }
0x50: {  	v4 =	vsub.f32 v4, v6;
	_ =	sdelay $0x1  }
0x51: {  	v4 =	vmul.f32 $1.442695020e+00, v4;
	_ =	sdelay $0x1  }
0x52: {  	(erf) = vpow2.f32 v4;
	_ =	sdelay $0x8  }
0x53: {  	v6 =	vpop (erf)  }
0x54: {  	s4 =	sadd.s32 $0xC00, s4;
	s5 =	simm.s32 $0x200;
	v5 =	vsel vm1, v63, v5;
	v4 =	vsel vm0, v12, v8;
	v6 =	vadd.f32 $1.000000000e+00, v6  }
.LBB2_1:
0x55: {  	p0 =	sne.s32 s5, $0xE00;
	s6 =	smov.u32 s5;
	s5 =	sadd.s32 $0x200, s5  }
0x56: {  	(erf) = vrcp.f32 v6;
	_ =	sdelay $0x6  }
0x57: {  	vm0 =	veq.s32 v4, v3  }
0x58: {  	vm1 =	veq.s32 v4, v0;
	vm2 =	veq.s32 v4, v1;
	vm3 =	veq.s32 v4, v2  }
0x59: {  	vm4 =	veq.s32 v5, v1;
	vm5 =	veq.s32 v5, v2;
	vm6 =	veq.s32 v5, v3;
	v4 =	vpop (erf)  }
0x5a: {  	vm7 =	veq.s32 v5, v0;
	s6 =	sshra.s32 s6, $0x2;
	v6 =	vsub.f32 $1.000000000e+00, v4;
	v5 =	vnsel vm2, $0x0, v4  }
0x5b: {  	v8 =	vnsel vm1, $0x0, v4;
	v9 =	vnsel vm3, $0x0, v4;
	v4 =	vnsel vm0, $0x0, v4;
	v7 =	vld [tilespmem:s6+$0x10]  }
0x5c: {  	v10 =	vnsel vm7, $0x0, v6;
	v11 =	vnsel vm4, $0x0, v6;
	v12 =	vnsel vm5, $0x0, v6  }
0x5d: {  	v6 =	vnsel vm6, $0x0, v6;
	v13 =	vld [tilespmem:s6+$0x0];
	v8 =	vadd.f32 v10, v8;
	v5 =	vadd.f32 v11, v5  }
0x5e: {  	v9 =	vadd.f32 v12, v9;
	v4 =	vadd.f32 v6, v4  }
0x5f: {  	v6 =	vld [tilespmem:s6+$0x20];
	[tilespmem:s3+$0x400] =	vst v8  }
0x60: {  	vm0 =	vlt.f32 v7, $-Inf;
	vm1 =	vgt.f32 v7, $-Inf;
	[tilespmem:s3+$0x420] =	vst v9  }
0x61: {  	vm0 =	vmor vm1, vm0;
	[tilespmem:s3+$0x430] =	vst v4  }
0x62: {  	vm1 =	vgt.f32 v7, v13;
	v4 =	vnsel vm0, $0xFF800000, v7;
	v8 =	vnsel vm0, $0x40, v1;
	v9 =	vld [tilespmem:s6+$0x30];
	[tilespmem:s3+$0x410] =	vst v5;
	s3 =	smov.u32 s6  }
0x63: {  	v4 =	vsel vm1, v13, v4;
	v5 =	vsel vm1, v7, v13  }
0x64: {  	v7 =	vsel vm1, v0, v8;
	v8 =	vsel vm1, v1, v0;
	vm0 =	vgt.f32 v6, v4  }
0x65: {  	vm1 =	vgt.f32 v6, v5;
	v4 =	vsel vm0, v6, v4;
	v7 =	vsel vm0, v2, v7  }
0x66: {  	v4 =	vsel vm1, v5, v4;
	v5 =	vsel vm1, v6, v5;
	v6 =	vsel vm1, v2, v8  }
0x67: {  	v7 =	vsel vm1, v8, v7;
	vm0 =	vgt.f32 v9, v5;
	vm1 =	vgt.f32 v9, v4  }
0x68: {  	v4 =	vsel vm1, v9, v4;
	v7 =	vsel vm1, v3, v7;
	v8 =	vsel vm0, v9, v5  }
0x69: {  	v4 =	vsel vm0, v5, v4;
	v5 =	vsel vm0, v6, v7;
	v6 =	vsel vm0, v3, v6;
	[tilespmem:$0x800] =	vst v8  }
0x6a: {  	[tilespmem:$0x810] =	vst v8  }
0x6b: {  	v7 =	vld [tilespmem:$0x808];
	[tilespmem:$0x910] =	vst v6  }
0x6c: {  	[tilespmem:$0x900] =	vst v6  }
0x6d: {  	v9 =	vld [tilespmem:$0x908];
	[tilespmem:$0x880] =	vst v4  }
0x6e: {  	[tilespmem:$0x890] =	vst v4  }
0x6f: {  	[tilespmem:$0x980] =	vst v5  }
0x70: {  	v10 =	vld [tilespmem:$0x888];
	[tilespmem:$0x990] =	vst v5;
	vm0 =	vgt.f32 v8, v7;
	vm1 =	veq.f32 v8, v7  }
0x71: {  	v11 =	vld [tilespmem:$0x988]  }
0x72: {  	vm2 =	vlt.s32 v6, v9  }
0x73: {  	vm1 =	vmand vm1, vm2  }
0x74: {  	vm0 =	vmor vm0, vm1  }
0x75: {  	v12 =	vsel vm0, v6, v9;
	v13 =	vsel vm0, v7, v8;
	v6 =	vsel vm0, v9, v6  }
0x76: {  	v7 =	vsel vm0, v8, v7;
	v4 =	vsel vm0, v4, v10;
	v5 =	vsel vm0, v5, v11;
	[tilespmem:$0x910] =	vst v12  }
0x77: {  	vm0 =	vgt.f32 v13, v4;
	vm1 =	veq.f32 v13, v4;
	vm2 =	vlt.s32 v6, v5;
	[tilespmem:$0x810] =	vst v7  }
0x78: {  	vm1 =	vmand vm1, vm2;
	[tilespmem:$0x900] =	vst v12  }
0x79: {  	vm0 =	vmor vm0, vm1;
	[tilespmem:$0x800] =	vst v7;
	v8 =	vld [tilespmem:$0x904]  }
0x7a: {  	v4 =	vsel vm0, v13, v4;
	v5 =	vsel vm0, v6, v5;
	v6 =	vld [tilespmem:$0x804]  }
0x7b: {  	[tilespmem:$0x880] =	vst v4  }
0x7c: {  	[tilespmem:$0x890] =	vst v4  }
0x7d: {  	v9 =	vld [tilespmem:$0x884]  }
0x7e: {  	[tilespmem:$0x990] =	vst v5;
	vm0 =	vlt.s32 v12, v8  }
0x7f: {  	[tilespmem:$0x980] =	vst v5;
	vm1 =	vgt.f32 v7, v6;
	vm2 =	veq.f32 v7, v6  }
0x80: {  	v10 =	vld [tilespmem:$0x984];
	vm0 =	vmand vm2, vm0  }
0x81: {  	vm0 =	vmor vm1, vm0  }
0x82: {  	v11 =	vsel vm0, v6, v7;
	v13 =	vsel vm0, v8, v12;
	v4 =	vsel vm0, v4, v9  }
0x83: {  	v6 =	vsel vm0, v7, v6;
	v7 =	vsel vm0, v12, v8;
	vm1 =	vgt.f32 v11, v4  }
0x84: {  	[tilespmem:$0x910] =	vst v7  }
0x85: {  	v5 =	vsel vm0, v5, v10;
	[tilespmem:$0x810] =	vst v6  }
0x86: {  	vm0 =	veq.f32 v11, v4;
	vm2 =	vlt.s32 v13, v5;
	[tilespmem:$0x800] =	vst v6  }
0x87: {  	vm0 =	vmand vm0, vm2;
	v8 =	vld [tilespmem:$0x802];
	[tilespmem:$0x900] =	vst v7  }
0x88: {  	vm0 =	vmor vm1, vm0;
	v9 =	vld [tilespmem:$0x902]  }
0x89: {  	v4 =	vsel vm0, v11, v4;
	v5 =	vsel vm0, v13, v5  }
0x8a: {  	[tilespmem:$0x890] =	vst v4  }
0x8b: {  	[tilespmem:$0x880] =	vst v4  }
0x8c: {  	v10 =	vld [tilespmem:$0x882];
	[tilespmem:$0x990] =	vst v5;
	vm0 =	vgt.f32 v6, v8;
	vm1 =	veq.f32 v6, v8  }
0x8d: {  	[tilespmem:$0x980] =	vst v5;
	vm2 =	vlt.s32 v7, v9  }
0x8e: {  	v11 =	vld [tilespmem:$0x982];
	vm1 =	vmand vm1, vm2;
	_ =	sdelay $0x1  }
0x8f: {  	vm0 =	vmor vm0, vm1  }
0x90: {  	v12 =	vsel vm0, v7, v9;
	v7 =	vsel vm0, v9, v7;
	v4 =	vsel vm0, v4, v10  }
0x91: {  	v9 =	vsel vm0, v6, v8;
	[tilespmem:$0x900] =	vst v12  }
0x92: {  	v6 =	vsel vm0, v8, v6;
	v5 =	vsel vm0, v5, v11;
	[tilespmem:$0x810] =	vst v9  }
0x93: {  	vm1 =	veq.f32 v6, v4;
	vm0 =	vgt.f32 v6, v4;
	vm2 =	vlt.s32 v7, v5;
	[tilespmem:$0x910] =	vst v12  }
0x94: {  	vm1 =	vmand vm1, vm2;
	[tilespmem:$0x800] =	vst v9;
	v8 =	vld [tilespmem:$0x901]  }
0x95: {  	vm0 =	vmor vm0, vm1;
	v10 =	vld [tilespmem:$0x801]  }
0x96: {  	v6 =	vsel vm0, v6, v4;
	v5 =	vsel vm0, v7, v5  }
0x97: {  	[tilespmem:$0x880] =	vst v6  }
0x98: {  	[tilespmem:$0x890] =	vst v6  }
0x99: {  	v7 =	vld [tilespmem:$0x881];
	[tilespmem:$0x980] =	vst v5;
	vm0 =	vlt.s32 v12, v8  }
0x9a: {  	[tilespmem:$0x990] =	vst v5;
	vm1 =	vgt.f32 v9, v10;
	vm2 =	veq.f32 v9, v10  }
0x9b: {  	v11 =	vld [tilespmem:$0x981];
	_ =	sdelay $0x1  }
0x9c: {  	vm0 =	vmand vm2, vm0  }
0x9d: {  	vm0 =	vmor vm1, vm0  }
0x9e: {  	v13 =	vsel vm0, v9, v10;
	v4 =	vsel vm0, v12, v8;
	v9 =	vsel vm0, v10, v9  }
0x9f: {  	v8 =	vsel vm0, v8, v12;
	v6 =	vsel vm0, v6, v7;
	v5 =	vsel vm0, v5, v11  }
0xa0: {  	vm0 =	veq.f32 v9, v6;
	vm1 =	vlt.s32 v8, v5  }
0xa1: {  	vm2 =	vgt.f32 v9, v6;
	vm0 =	vmand vm0, vm1  }
0xa2: {  	vm0 =	vmor vm2, vm0  }
0xa3: {  	v6 =	vsel vm0, v9, v6;
	v5 =	vsel vm0, v8, v5  }
0xa4: {  	v6 =	vsub.f32 v6, v13;
	_ =	sdelay $0x1  }
0xa5: {  	v6 =	vmul.f32 $1.442695020e+00, v6;
	_ =	sdelay $0x1  }
0xa6: {  	(erf) = vpow2.f32 v6;
	_ =	sdelay $0x5  }
.Ltmp0:
0xa7: {  	(pc) =	sbr.rel @p0 .LBB2_1-.Ltmp0, $3  }
0xa8: {  	_ =	sdelay $0x1  }
0xa9: {  	v6 =	vpop (erf)  }
0xaa: {  	v6 =	vadd.f32 $1.000000000e+00, v6  }
0xab: {  	_ = 	snop  }
0xac: {  	(erf) = vrcp.f32 v6;
	_ =	sdelay $0x8  }
0xad: {  	vm0 =	veq.s32 v4, v3;
	vm1 =	veq.s32 v4, v0;
	v6 =	vpop (erf)  }
0xae: {  	vm2 =	veq.s32 v4, v1;
	vm3 =	veq.s32 v4, v2;
	v56 =	vsub.f32 $1.000000000e+00, v6  }
0xaf: {  	vm4 =	veq.s32 v5, v1;
	vm5 =	veq.s32 v5, v2;
	vm6 =	veq.s32 v5, v0  }
0xb0: {  	vm7 =	veq.s32 v5, v3;
	v57 =	vnsel vm1, $0x0, v6;
	v58 =	vnsel vm6, $0x0, v56  }
0xb1: {  	v59 =	vnsel vm3, $0x0, v6;
	v60 =	vnsel vm5, $0x0, v56;
	v0 =	vadd.f32 v58, v57  }
0xb2: {  	v61 =	vnsel vm0, $0x0, v6;
	v5 =	vnsel vm7, $0x0, v56;
	v2 =	vadd.f32 v60, v59  }
0xb3: {  	v62 =	vnsel vm2, $0x0, v6;
	v4 =	vnsel vm4, $0x0, v56;
	v1 =	vadd.f32 v5, v61;
	[tilespmem:s3+$0x400] =	vst v0  }
0xb4: {  	v63 =	vadd.f32 v4, v62;
	[tilespmem:s3+$0x420] =	vst v2  }
0xb5: {  	s2 =	sadd.s32 s4, s2;
	[tilespmem:s3+$0x430] =	vst v1  }
0xb6: {  	s29 =	simm.s32 $0x0;
	s30 =	simm.s32 $0x400;
	s31 =	simm.s32 $0x1;
	[tilespmem:s3+$0x410] =	vst v63  }
0xb7: {  	[hbm4b:s2+s29] =	stream.linear.scatter [tilespmem:s30], [sflag:$0x1], $0x400, $0x38;
	[tilespmem:$0xA00] =	vst v63  }
0xb8: {  	_ =	swait.ge [sflag:s31], $0x400  }
0xb9: {  	[sflag:s31] =	ssyncset.done $0x0  }
0xba: {  	[sflag:s31] =	ssyncadd.s32 $0xFFFFFC00  }
0xbb: {  	_ =	sfence.sel $0x180000  }
0xbc: {  	[bflag:$0x0] =	sbarrier.arrive $0xFFFF  }
0xbd: {  	p0 =	sne.s32 s1, $0x0;
	_ =	strace $0x90000047  }
0xbe: {  	s0 =	sadd.s32 @!p0 $0x100000, s0;
	[bflag:$0x2] =	sbarrier.arrive $0xFFFF  }
0xbf: {  	[sflag:s0] =	ssyncadd.tile.s32 @!p0 $0x1;
	_ =	shalt  }
.Lfunc_end2:
_tile_overlayer_lowered:
.L_overlay_start_2:
0xc0: {  	(tag) =	ssettag $0x2  }
0xc1: {  	s0 =	rddreg [dreg:$0x0];
	s2 =	stileid.u32  }
0xc2: {  	s1 =	rddreg [dreg:$0x1];
	p0 =	sne.s32 s2, $0x0  }
0xc3: {  	s3 =	rddreg [dreg:$0x2];
	[bflag:$0x3] =	sbarrier.arrive $0xFFFF;
	s2 =	simm.s32 @!p0 $0x1C01  }
0xc4: {  	[timem:s3], [sflag:s2] =	dma.local @!p0 [hbm:s0], s1  }
0xc5: {  	s0 =	simm.s32 @!p0 $0x1  }
0xc6: {  	_ =	swait.ge @!p0 [sflag:s0], s1  }
0xc7: {  	s1 =	ssub.s32 @!p0 $0x0, s1;
	[sflag:s0] =	ssyncset.done @!p0 $0x0  }
0xc8: {  	[sflag:s0] =	ssyncadd.s32 @!p0 s1  }
0xc9: {  	[bflag:$0x3] =	sbarrier.arrive $0xFFFF  }
0xca: {  	_ =	shalt  }

</sc_bundles>
